<compile_context>
chip_gen: v7x
topology: tpu7x:2x2x1
jax: 0.10.2.dev20260603
libtpu: 0.0.44.dev20260713+nightly
codegen_flags: <defaults>
</compile_context>

<pallas_src>
import functools

import jax
import jax.numpy as jnp
from jax.experimental import pallas as pl
from jax.experimental.pallas import tpu as pltpu
from jax.experimental.pallas import tpu_sc as plsc

_NB = 256
_NG = 128


def _build_matrix(r, E, l, h):
    V, W = E.shape

    def body(r_ref, e_ref, l_ref, h_ref, o_ref):
        rr = r_ref[...]
        o_ref[...] = e_ref[...] + rr * l_ref[...] + (1.0 - rr) * h_ref[...]

    return pl.pallas_call(
        body,
        out_shape=jax.ShapeDtypeStruct((V, W), jnp.float32),
    )(r, E, l.reshape(1, W), h.reshape(1, W))


def kernel(idx, r, E, l, h):
    V, W = E.shape
    B, F = idx.shape
    assert B % _NB == 0 and _NB % _NG == 0
    nsteps = B // _NB

    matrix = _build_matrix(r, E, l, h)
    idx_t = idx.T.astype(jnp.int32)

    mesh = plsc.VectorSubcoreMesh(
        core_axis_name="core", subcore_axis_name="subcore"
    )

    @functools.partial(
        pl.kernel,
        out_type=jax.ShapeDtypeStruct((F, B, W), jnp.float32),
        mesh=mesh,
        scratch_types=[
            pltpu.VMEM_SHARED((V, W), jnp.float32),
            pltpu.SemaphoreType.DMA,
            pltpu.SemaphoreType.DMA,
        ],
    )
    def gather_k(x_hbm, i_hbm, o_hbm, tbl_sh, s0, s1):
        @pl.when(jax.lax.axis_index("subcore") == 0)
        def _():
            pltpu.sync_copy(x_hbm, tbl_sh)

        plsc.subcore_barrier()

        sems = (s0, s1)

        def body(i_vmem, o_vmem):
            copies = [
                pltpu.async_copy(
                    tbl_sh.at[i_vmem.at[0, pl.ds(j * _NG, _NG)]],
                    o_vmem.at[0, pl.ds(j * _NG, _NG)],
                    sems[j],
                )
                for j in range(_NB // _NG)
            ]
            for c in copies:
                c.wait()

        pltpu.emit_pipeline(
            body,
            grid=(F * nsteps,),
            in_specs=[
                pl.BlockSpec(
                    (1, _NB), index_map=lambda i: (i // nsteps, i % nsteps)
                )
            ],
            out_specs=[
                pl.BlockSpec(
                    (1, _NB, W),
                    index_map=lambda i: (i // nsteps, i % nsteps, 0),
                )
            ],
            core_axis_name=("core", "subcore"),
            dimension_semantics=(pltpu.PARALLEL,),
        )(i_hbm, o_hbm)

    out_fbw = gather_k(matrix, idx_t)
    return out_fbw.transpose(1, 0, 2)

# --- scband reference (transcript-rebuilt; emitter-appended) ---
"""Pipeline reference for scband-ordered-embedding-20083267076218 (READ-ONLY COPY).

The authoritative reference and input builder live on the scoring server;
editing this copy changes nothing except your own understanding.
"""

import jax, jax.numpy as jnp
import numpy as np

V = 1000
W = 128
B = 16384
F = 100

def setup_inputs(seed: int = 0) -> dict:
    key = jax.random.key(seed)
    k1, k2, k3 = jax.random.split(key, 3)
    occ = jnp.arange(V, dtype=jnp.float32)
    r = ((occ - occ.min()) / (occ.max() - occ.min())).reshape(-1, 1)
    E = jnp.zeros((V, W), dtype=jnp.float32)
    l = 0.05 * jax.random.normal(k1, (W,), dtype=jnp.float32)
    h = 0.05 * jax.random.normal(k2, (W,), dtype=jnp.float32)
    idx = jax.random.randint(k3, (B, F), 0, V)
    return {"idx": idx, "r": r, "E": E, "l": l, "h": h}

def reference(idx, r, E, l, h):
    # matrix = E + r * l + (1 - r) * h  (ordered embedding weight construction)
    matrix = E + r * l + (1.0 - r) * h
    # gather rows -> SparseCore embedding lookup
    return jnp.take(matrix, idx, axis=0)

if __name__ == "__main__":
    import jax
    _d = setup_inputs()
    print(jax.jit(kernel)(*tuple(_d.values())))

</pallas_src>

<mosaic_0001>
#map = affine_map<(d0, d1) -> (0, 0)>
#map1 = affine_map<(d0, d1) -> (0, 0, 0)>
module attributes {stable_mosaic.version = 14 : i64} {
  func.func @gather_k(%arg0: i32, %arg1: i32, %arg2: memref<1000x128xf32, #tpu.memory_space<hbm>>, %arg3: memref<100x16384xi32, #tpu.memory_space<hbm>>, %arg4: memref<100x16384x128xf32, #tpu.memory_space<hbm>>, %arg5: memref<1000x128xf32, #tpu.memory_space<vmem_shared>>, %arg6: memref<!tpu.dma_semaphore, #tpu.memory_space<semaphore_mem>>, %arg7: memref<!tpu.dma_semaphore, #tpu.memory_space<semaphore_mem>>) attributes {dimension_semantics = [#tpu.dimension_semantics<core_parallel>, #tpu.dimension_semantics<subcore_parallel>], iteration_bounds = array<i64: 2, 16>, scalar_prefetch = 0 : i64, scratch_operands = 3 : i64, tpu.core_type = #tpu.core_type<sc_vector_subcore>, window_params = [{transform_indices = #map}, {transform_indices = #map}, {transform_indices = #map1}]} {
    %eq3A = arith.constant 0 : i32
    %eq3A_0 = arith.cmpi eq, %arg1, %eq3A : i32
    %convert_element_type3A = arith.extui %eq3A_0 : i1 to i32
    %cond3A = arith.constant 0 : i32
    %cond3A_1 = arith.cmpi ne, %convert_element_type3A, %cond3A : i32
    scf.if %cond3A_1 {
      "tpu.region"() ({
        %run_scoped3A = tpu.sem_alloc : memref<!tpu.dma_semaphore, #tpu.memory_space<semaphore_mem>>
        tpu.enqueue_dma source(%arg2 : memref<1000x128xf32, #tpu.memory_space<hbm>>) target(%arg5 : memref<1000x128xf32, #tpu.memory_space<vmem_shared>>) target_semaphore(%run_scoped3A : memref<!tpu.dma_semaphore, #tpu.memory_space<semaphore_mem>>)
        tpu.wait_dma2 semaphore(%run_scoped3A : memref<!tpu.dma_semaphore, #tpu.memory_space<semaphore_mem>>) src(%arg2 : memref<1000x128xf32, #tpu.memory_space<hbm>>) dst(%arg5 : memref<1000x128xf32, #tpu.memory_space<vmem_shared>>)
        tpu.yield
      }) : () -> ()
    } else {
    }
    %barrier3A = arith.constant 0 : index
    tpu.barrier barrier_id(%barrier3A)
    %mul3A = arith.constant 1 : i32
    %mul3A_2 = arith.muli %arg1, %mul3A : i32
    %add3A = arith.constant 0 : i32
    %add3A_3 = arith.addi %add3A, %mul3A_2 : i32
    %mul3A_4 = arith.constant 16 : i32
    %mul3A_5 = arith.muli %arg0, %mul3A_4 : i32
    %add3A_6 = arith.addi %add3A_3, %mul3A_5 : i32
    %mul3A_7 = arith.constant 200 : i32
    %mul3A_8 = arith.muli %add3A_6, %mul3A_7 : i32
    "tpu.region"() ({
      %run_scoped3A = memref.alloca() : memref<2x1x256xi32, #tpu.memory_space<vmem>>
      %run_scoped3A_9 = tpu.sem_alloc : memref<2x!tpu.dma_semaphore, #tpu.memory_space<semaphore_mem>>
      %run_scoped3A_10 = memref.alloca() : memref<2x1x256x128xf32, #tpu.memory_space<vmem>>
      %run_scoped3A_11 = tpu.sem_alloc : memref<2x!tpu.dma_semaphore, #tpu.memory_space<semaphore_mem>>
      %add3A_12 = arith.constant 0 : i32
      %add3A_13 = arith.addi %add3A_12, %mul3A_8 : i32
      %select_n3A = arith.constant true
      %select_n3A_14 = arith.constant 0 : i32
      %select_n3A_15 = arith.constant -1 : i32
      %select_n3A_16 = arith.select %select_n3A, %select_n3A_15, %select_n3A_14 : i32
      %eq3A_17 = arith.constant -1 : i32
      %eq3A_18 = arith.cmpi eq, %select_n3A_16, %eq3A_17 : i32
      %select_n3A_19 = arith.constant 199 : i32
      %select_n3A_20 = arith.select %eq3A_18, %select_n3A_19, %select_n3A_16 : i32
      %add3A_21 = arith.addi %select_n3A_20, %mul3A_8 : i32
      %select_n3A_22 = arith.constant true
      %select_n3A_23 = arith.constant 0 : i32
      %select_n3A_24 = arith.constant 1 : i32
      %select_n3A_25 = arith.select %select_n3A_22, %select_n3A_24, %select_n3A_23 : i32
      %eq3A_26 = arith.constant 200 : i32
      %eq3A_27 = arith.cmpi eq, %select_n3A_25, %eq3A_26 : i32
      %select_n3A_28 = arith.constant 0 : i32
      %select_n3A_29 = arith.select %eq3A_27, %select_n3A_28, %select_n3A_25 : i32
      %add3A_30 = arith.addi %select_n3A_29, %mul3A_8 : i32
      %add3A_31 = arith.constant 1 : i32
      %add3A_32 = arith.addi %select_n3A_29, %add3A_31 : i32
      %select_n3A_33 = arith.constant true
      %select_n3A_34 = arith.select %select_n3A_33, %add3A_32, %select_n3A_29 : i32
      %eq3A_35 = arith.constant 200 : i32
      %eq3A_36 = arith.cmpi eq, %select_n3A_34, %eq3A_35 : i32
      %select_n3A_37 = arith.constant 0 : i32
      %select_n3A_38 = arith.select %eq3A_36, %select_n3A_37, %select_n3A_34 : i32
      %add3A_39 = arith.addi %select_n3A_38, %mul3A_8 : i32
      "tpu.trace_start"() <{level = 10 : i32, message = "ep_initialize_0"}> : () -> ()
      %rem3A = arith.constant 0 : i32
      %rem3A_40 = arith.constant 2 : i32
      %rem3A_41 = arith.remui %rem3A, %rem3A_40 : i32
      %jit3A = arith.constant 64 : i32
      %div3A = arith.divsi %add3A_13, %jit3A : i32
      %sign3A = arith.constant 0 : i32
      %sign3A_42 = arith.cmpi sgt, %add3A_13, %sign3A : i32
      %sign3A_43 = arith.extui %sign3A_42 : i1 to i32
      %sign3A_44 = arith.constant 0 : i32
      %sign3A_45 = arith.cmpi slt, %add3A_13, %sign3A_44 : i32
      %sign3A_46 = arith.extui %sign3A_45 : i1 to i32
      %sign3A_47 = arith.subi %sign3A_43, %sign3A_46 : i32
      %sign3A_48 = arith.constant 0 : i32
      %sign3A_49 = arith.cmpi sgt, %jit3A, %sign3A_48 : i32
      %sign3A_50 = arith.extui %sign3A_49 : i1 to i32
      %sign3A_51 = arith.constant 0 : i32
      %sign3A_52 = arith.cmpi slt, %jit3A, %sign3A_51 : i32
      %sign3A_53 = arith.extui %sign3A_52 : i1 to i32
      %sign3A_54 = arith.subi %sign3A_50, %sign3A_53 : i32
      %ne3A = arith.cmpi ne, %sign3A_47, %sign3A_54 : i32
      %rem3A_55 = arith.remsi %add3A_13, %jit3A : i32
      %ne3A_56 = arith.constant 0 : i32
      %ne3A_57 = arith.cmpi ne, %rem3A_55, %ne3A_56 : i32
      %and3A = arith.andi %ne3A, %ne3A_57 : i1
      %sub3A = arith.constant 1 : i32
      %sub3A_58 = arith.subi %div3A, %sub3A : i32
      %select_n3A_59 = arith.select %and3A, %sub3A_58, %div3A : i32
      %jit3A_60 = arith.constant 64 : i32
      %eq3A_61 = arith.constant 0 : i32
      %eq3A_62 = arith.cmpi eq, %jit3A_60, %eq3A_61 : i32
      %jit3A_63 = arith.constant 1 : i32
      %select_n3A_64 = arith.select %eq3A_62, %jit3A_63, %jit3A_60 : i32
      %rem3A_65 = arith.remsi %add3A_13, %select_n3A_64 : i32
      %ne3A_66 = arith.constant 0 : i32
      %ne3A_67 = arith.cmpi ne, %rem3A_65, %ne3A_66 : i32
      %lt3A = arith.constant 0 : i32
      %lt3A_68 = arith.cmpi slt, %rem3A_65, %lt3A : i32
      %lt3A_69 = arith.constant 0 : i32
      %lt3A_70 = arith.cmpi slt, %select_n3A_64, %lt3A_69 : i32
      %ne3A_71 = arith.xori %lt3A_68, %lt3A_70 : i1
      %and3A_72 = arith.andi %ne3A_71, %ne3A_67 : i1
      %add3A_73 = arith.addi %rem3A_65, %select_n3A_64 : i32
      %select_n3A_74 = arith.select %and3A_72, %add3A_73, %rem3A_65 : i32
      %mul3A_75 = arith.constant 1 : i32
      %mul3A_76 = arith.muli %mul3A_75, %select_n3A_59 : i32
      %mul3A_77 = arith.constant 256 : i32
      %mul3A_78 = arith.muli %mul3A_77, %select_n3A_74 : i32
      %dma_start3A = arith.constant 0 : i32
      %dma_start3A_79 = arith.constant 0 : i32
      %dma_start3A_80 = tpu.memref_slice %run_scoped3A[%rem3A_41, %dma_start3A, %dma_start3A_79] : memref<2x1x256xi32, #tpu.memory_space<vmem>> -> memref<1x1x256xi32, #tpu.memory_space<vmem>>
      %dma_start3A_81 = tpu.memref_squeeze %dma_start3A_80 : memref<1x1x256xi32, #tpu.memory_space<vmem>> -> memref<1x256xi32, #tpu.memory_space<vmem>>
      %dma_start3A_82 = tpu.memref_slice %arg3[%mul3A_76, %mul3A_78] : memref<100x16384xi32, #tpu.memory_space<hbm>> -> memref<1x256xi32, #tpu.memory_space<hbm>>
      %dma_start3A_83 = tpu.memref_slice %run_scoped3A_9[%rem3A_41] : memref<2x!tpu.dma_semaphore, #tpu.memory_space<semaphore_mem>> -> memref<1x!tpu.dma_semaphore, #tpu.memory_space<semaphore_mem>>
      %dma_start3A_84 = tpu.memref_squeeze %dma_start3A_83 : memref<1x!tpu.dma_semaphore, #tpu.memory_space<semaphore_mem>> -> memref<!tpu.dma_semaphore, #tpu.memory_space<semaphore_mem>>
      %dma_start3A_85 = arith.constant 0 : i32
      %dma_start3A_86 = arith.constant 0 : i32
      %dma_start3A_87 = tpu.memref_slice %run_scoped3A[%rem3A_41, %dma_start3A_85, %dma_start3A_86] : memref<2x1x256xi32, #tpu.memory_space<vmem>> -> memref<1x1x256xi32, #tpu.memory_space<vmem>>
      %dma_start3A_88 = tpu.memref_squeeze %dma_start3A_87 : memref<1x1x256xi32, #tpu.memory_space<vmem>> -> memref<1x256xi32, #tpu.memory_space<vmem>>
      %dma_start3A_89 = tpu.memref_slice %arg3[%mul3A_76, %mul3A_78] : memref<100x16384xi32, #tpu.memory_space<hbm>> -> memref<1x256xi32, #tpu.memory_space<hbm>>
      tpu.enqueue_dma source(%dma_start3A_89 : memref<1x256xi32, #tpu.memory_space<hbm>>) target(%dma_start3A_88 : memref<1x256xi32, #tpu.memory_space<vmem>>) target_semaphore(%dma_start3A_84 : memref<!tpu.dma_semaphore, #tpu.memory_space<semaphore_mem>>)
      %add3A_90 = arith.constant 0 : i32
      %add3A_91 = arith.constant 1 : i32
      %add3A_92 = arith.addi %add3A_90, %add3A_91 : i32
      %select_n3A_93 = arith.constant true
      %select_n3A_94 = arith.constant 0 : i32
      %select_n3A_95 = arith.select %select_n3A_93, %add3A_92, %select_n3A_94 : i32
      "tpu.trace_stop"() : () -> ()
      %scan3A = arith.constant 0 : i32
      %scan3A_96 = arith.constant 0 : i32
      %scan3A_97 = arith.constant 0 : i32
      %scan3A_98 = arith.constant 0 : i32
      %scan3A_99 = arith.constant 0 : i32
      %scan3A_100 = arith.constant 200 : i32
      %scan3A_101 = arith.addi %scan3A_99, %scan3A_100 : i32
      %scan3A_102 = arith.constant 1 : i32
      %scan3A_103:5 = scf.for %scan3A_202 = %scan3A_99 to %scan3A_101 step %scan3A_102 iter_args(%scan3A_203 = %select_n3A_95, %scan3A_204 = %scan3A, %scan3A_205 = %scan3A_96, %scan3A_206 = %scan3A_97, %scan3A_207 = %scan3A_98) -> (i32, i32, i32, i32, i32)  : i32 {
        %eq3A_208 = arith.constant 0 : i32
        %eq3A_209 = arith.cmpi eq, %scan3A_202, %eq3A_208 : i32
        %eq3A_210 = arith.constant 199 : i32
        %eq3A_211 = arith.cmpi eq, %scan3A_202, %eq3A_210 : i32
        %add3A_212 = arith.addi %scan3A_207, %mul3A_8 : i32
        %sub3A_213 = arith.constant 1 : i32
        %sub3A_214 = arith.subi %scan3A_207, %sub3A_213 : i32
        %select_n3A_215 = arith.constant true
        %select_n3A_216 = arith.select %select_n3A_215, %sub3A_214, %scan3A_207 : i32
        %eq3A_217 = arith.constant -1 : i32
        %eq3A_218 = arith.cmpi eq, %select_n3A_216, %eq3A_217 : i32
        %select_n3A_219 = arith.constant 199 : i32
        %select_n3A_220 = arith.select %eq3A_218, %select_n3A_219, %select_n3A_216 : i32
        %add3A_221 = arith.addi %select_n3A_220, %mul3A_8 : i32
        %add3A_222 = arith.constant 1 : i32
        %add3A_223 = arith.addi %scan3A_207, %add3A_222 : i32
        %select_n3A_224 = arith.constant true
        %select_n3A_225 = arith.select %select_n3A_224, %add3A_223, %scan3A_207 : i32
        %eq3A_226 = arith.constant 200 : i32
        %eq3A_227 = arith.cmpi eq, %select_n3A_225, %eq3A_226 : i32
        %select_n3A_228 = arith.constant 0 : i32
        %select_n3A_229 = arith.select %eq3A_227, %select_n3A_228, %select_n3A_225 : i32
        %add3A_230 = arith.addi %select_n3A_229, %mul3A_8 : i32
        %add3A_231 = arith.constant 1 : i32
        %add3A_232 = arith.addi %select_n3A_229, %add3A_231 : i32
        %select_n3A_233 = arith.constant true
        %select_n3A_234 = arith.select %select_n3A_233, %add3A_232, %select_n3A_229 : i32
        %eq3A_235 = arith.constant 200 : i32
        %eq3A_236 = arith.cmpi eq, %select_n3A_234, %eq3A_235 : i32
        %select_n3A_237 = arith.constant 0 : i32
        %select_n3A_238 = arith.select %eq3A_236, %select_n3A_237, %select_n3A_234 : i32
        %add3A_239 = arith.addi %select_n3A_238, %mul3A_8 : i32
        %jit3A_240 = arith.constant 64 : i32
        %div3A_241 = arith.divsi %add3A_212, %jit3A_240 : i32
        %sign3A_242 = arith.constant 0 : i32
        %sign3A_243 = arith.cmpi sgt, %add3A_212, %sign3A_242 : i32
        %sign3A_244 = arith.extui %sign3A_243 : i1 to i32
        %sign3A_245 = arith.constant 0 : i32
        %sign3A_246 = arith.cmpi slt, %add3A_212, %sign3A_245 : i32
        %sign3A_247 = arith.extui %sign3A_246 : i1 to i32
        %sign3A_248 = arith.subi %sign3A_244, %sign3A_247 : i32
        %sign3A_249 = arith.constant 0 : i32
        %sign3A_250 = arith.cmpi sgt, %jit3A_240, %sign3A_249 : i32
        %sign3A_251 = arith.extui %sign3A_250 : i1 to i32
        %sign3A_252 = arith.constant 0 : i32
        %sign3A_253 = arith.cmpi slt, %jit3A_240, %sign3A_252 : i32
        %sign3A_254 = arith.extui %sign3A_253 : i1 to i32
        %sign3A_255 = arith.subi %sign3A_251, %sign3A_254 : i32
        %ne3A_256 = arith.cmpi ne, %sign3A_248, %sign3A_255 : i32
        %rem3A_257 = arith.remsi %add3A_212, %jit3A_240 : i32
        %ne3A_258 = arith.constant 0 : i32
        %ne3A_259 = arith.cmpi ne, %rem3A_257, %ne3A_258 : i32
        %and3A_260 = arith.andi %ne3A_256, %ne3A_259 : i1
        %sub3A_261 = arith.constant 1 : i32
        %sub3A_262 = arith.subi %div3A_241, %sub3A_261 : i32
        %select_n3A_263 = arith.select %and3A_260, %sub3A_262, %div3A_241 : i32
        %jit3A_264 = arith.constant 64 : i32
        %eq3A_265 = arith.constant 0 : i32
        %eq3A_266 = arith.cmpi eq, %jit3A_264, %eq3A_265 : i32
        %jit3A_267 = arith.constant 1 : i32
        %select_n3A_268 = arith.select %eq3A_266, %jit3A_267, %jit3A_264 : i32
        %rem3A_269 = arith.remsi %add3A_212, %select_n3A_268 : i32
        %ne3A_270 = arith.constant 0 : i32
        %ne3A_271 = arith.cmpi ne, %rem3A_269, %ne3A_270 : i32
        %lt3A_272 = arith.constant 0 : i32
        %lt3A_273 = arith.cmpi slt, %rem3A_269, %lt3A_272 : i32
        %lt3A_274 = arith.constant 0 : i32
        %lt3A_275 = arith.cmpi slt, %select_n3A_268, %lt3A_274 : i32
        %ne3A_276 = arith.xori %lt3A_273, %lt3A_275 : i1
        %and3A_277 = arith.andi %ne3A_276, %ne3A_271 : i1
        %add3A_278 = arith.addi %rem3A_269, %select_n3A_268 : i32
        %select_n3A_279 = arith.select %and3A_277, %add3A_278, %rem3A_269 : i32
        %jit3A_280 = arith.constant 64 : i32
        %div3A_281 = arith.divsi %add3A_230, %jit3A_280 : i32
        %sign3A_282 = arith.constant 0 : i32
        %sign3A_283 = arith.cmpi sgt, %add3A_230, %sign3A_282 : i32
        %sign3A_284 = arith.extui %sign3A_283 : i1 to i32
        %sign3A_285 = arith.constant 0 : i32
        %sign3A_286 = arith.cmpi slt, %add3A_230, %sign3A_285 : i32
        %sign3A_287 = arith.extui %sign3A_286 : i1 to i32
        %sign3A_288 = arith.subi %sign3A_284, %sign3A_287 : i32
        %sign3A_289 = arith.constant 0 : i32
        %sign3A_290 = arith.cmpi sgt, %jit3A_280, %sign3A_289 : i32
        %sign3A_291 = arith.extui %sign3A_290 : i1 to i32
        %sign3A_292 = arith.constant 0 : i32
        %sign3A_293 = arith.cmpi slt, %jit3A_280, %sign3A_292 : i32
        %sign3A_294 = arith.extui %sign3A_293 : i1 to i32
        %sign3A_295 = arith.subi %sign3A_291, %sign3A_294 : i32
        %ne3A_296 = arith.cmpi ne, %sign3A_288, %sign3A_295 : i32
        %rem3A_297 = arith.remsi %add3A_230, %jit3A_280 : i32
        %ne3A_298 = arith.constant 0 : i32
        %ne3A_299 = arith.cmpi ne, %rem3A_297, %ne3A_298 : i32
        %and3A_300 = arith.andi %ne3A_296, %ne3A_299 : i1
        %sub3A_301 = arith.constant 1 : i32
        %sub3A_302 = arith.subi %div3A_281, %sub3A_301 : i32
        %select_n3A_303 = arith.select %and3A_300, %sub3A_302, %div3A_281 : i32
        %jit3A_304 = arith.constant 64 : i32
        %eq3A_305 = arith.constant 0 : i32
        %eq3A_306 = arith.cmpi eq, %jit3A_304, %eq3A_305 : i32
        %jit3A_307 = arith.constant 1 : i32
        %select_n3A_308 = arith.select %eq3A_306, %jit3A_307, %jit3A_304 : i32
        %rem3A_309 = arith.remsi %add3A_230, %select_n3A_308 : i32
        %ne3A_310 = arith.constant 0 : i32
        %ne3A_311 = arith.cmpi ne, %rem3A_309, %ne3A_310 : i32
        %lt3A_312 = arith.constant 0 : i32
        %lt3A_313 = arith.cmpi slt, %rem3A_309, %lt3A_312 : i32
        %lt3A_314 = arith.constant 0 : i32
        %lt3A_315 = arith.cmpi slt, %select_n3A_308, %lt3A_314 : i32
        %ne3A_316 = arith.xori %lt3A_313, %lt3A_315 : i1
        %and3A_317 = arith.andi %ne3A_316, %ne3A_311 : i1
        %add3A_318 = arith.addi %rem3A_309, %select_n3A_308 : i32
        %select_n3A_319 = arith.select %and3A_317, %add3A_318, %rem3A_309 : i32
        %ne3A_320 = arith.cmpi ne, %select_n3A_263, %select_n3A_303 : i32
        %ne3A_321 = arith.cmpi ne, %select_n3A_279, %select_n3A_319 : i32
        %or3A = arith.constant false
        %or3A_322 = arith.ori %or3A, %ne3A_320 : i1
        %or3A_323 = arith.ori %or3A_322, %ne3A_321 : i1
        %ge3A = arith.constant 199 : i32
        %ge3A_324 = arith.cmpi sge, %scan3A_202, %ge3A : i32
        %not3A = arith.constant true
        %not3A_325 = arith.xori %ge3A_324, %not3A : i1
        %and3A_326 = arith.andi %or3A_323, %not3A_325 : i1
        %convert_element_type3A_327 = arith.extui %and3A_326 : i1 to i32
        %cond3A_328 = arith.constant 0 : i32
        %cond3A_329 = arith.cmpi ne, %convert_element_type3A_327, %cond3A_328 : i32
        scf.if %cond3A_329 {
          "tpu.trace_start"() <{level = 10 : i32, message = "ep_copy_in"}> : () -> ()
          %rem3A_1170 = arith.constant 2 : i32
          %rem3A_1171 = arith.remui %scan3A_203, %rem3A_1170 : i32
          %jit3A_1172 = arith.constant 64 : i32
          %div3A_1173 = arith.divsi %add3A_230, %jit3A_1172 : i32
          %sign3A_1174 = arith.constant 0 : i32
          %sign3A_1175 = arith.cmpi sgt, %add3A_230, %sign3A_1174 : i32
          %sign3A_1176 = arith.extui %sign3A_1175 : i1 to i32
          %sign3A_1177 = arith.constant 0 : i32
          %sign3A_1178 = arith.cmpi slt, %add3A_230, %sign3A_1177 : i32
          %sign3A_1179 = arith.extui %sign3A_1178 : i1 to i32
          %sign3A_1180 = arith.subi %sign3A_1176, %sign3A_1179 : i32
          %sign3A_1181 = arith.constant 0 : i32
          %sign3A_1182 = arith.cmpi sgt, %jit3A_1172, %sign3A_1181 : i32
          %sign3A_1183 = arith.extui %sign3A_1182 : i1 to i32
          %sign3A_1184 = arith.constant 0 : i32
          %sign3A_1185 = arith.cmpi slt, %jit3A_1172, %sign3A_1184 : i32
          %sign3A_1186 = arith.extui %sign3A_1185 : i1 to i32
          %sign3A_1187 = arith.subi %sign3A_1183, %sign3A_1186 : i32
          %ne3A_1188 = arith.cmpi ne, %sign3A_1180, %sign3A_1187 : i32
          %rem3A_1189 = arith.remsi %add3A_230, %jit3A_1172 : i32
          %ne3A_1190 = arith.constant 0 : i32
          %ne3A_1191 = arith.cmpi ne, %rem3A_1189, %ne3A_1190 : i32
          %and3A_1192 = arith.andi %ne3A_1188, %ne3A_1191 : i1
          %sub3A_1193 = arith.constant 1 : i32
          %sub3A_1194 = arith.subi %div3A_1173, %sub3A_1193 : i32
          %select_n3A_1195 = arith.select %and3A_1192, %sub3A_1194, %div3A_1173 : i32
          %jit3A_1196 = arith.constant 64 : i32
          %eq3A_1197 = arith.constant 0 : i32
          %eq3A_1198 = arith.cmpi eq, %jit3A_1196, %eq3A_1197 : i32
          %jit3A_1199 = arith.constant 1 : i32
          %select_n3A_1200 = arith.select %eq3A_1198, %jit3A_1199, %jit3A_1196 : i32
          %rem3A_1201 = arith.remsi %add3A_230, %select_n3A_1200 : i32
          %ne3A_1202 = arith.constant 0 : i32
          %ne3A_1203 = arith.cmpi ne, %rem3A_1201, %ne3A_1202 : i32
          %lt3A_1204 = arith.constant 0 : i32
          %lt3A_1205 = arith.cmpi slt, %rem3A_1201, %lt3A_1204 : i32
          %lt3A_1206 = arith.constant 0 : i32
          %lt3A_1207 = arith.cmpi slt, %select_n3A_1200, %lt3A_1206 : i32
          %ne3A_1208 = arith.xori %lt3A_1205, %lt3A_1207 : i1
          %and3A_1209 = arith.andi %ne3A_1208, %ne3A_1203 : i1
          %add3A_1210 = arith.addi %rem3A_1201, %select_n3A_1200 : i32
          %select_n3A_1211 = arith.select %and3A_1209, %add3A_1210, %rem3A_1201 : i32
          %mul3A_1212 = arith.constant 1 : i32
          %mul3A_1213 = arith.muli %mul3A_1212, %select_n3A_1195 : i32
          %mul3A_1214 = arith.constant 256 : i32
          %mul3A_1215 = arith.muli %mul3A_1214, %select_n3A_1211 : i32
          %dma_start3A_1216 = arith.constant 0 : i32
          %dma_start3A_1217 = arith.constant 0 : i32
          %dma_start3A_1218 = tpu.memref_slice %run_scoped3A[%rem3A_1171, %dma_start3A_1216, %dma_start3A_1217] : memref<2x1x256xi32, #tpu.memory_space<vmem>> -> memref<1x1x256xi32, #tpu.memory_space<vmem>>
          %dma_start3A_1219 = tpu.memref_squeeze %dma_start3A_1218 : memref<1x1x256xi32, #tpu.memory_space<vmem>> -> memref<1x256xi32, #tpu.memory_space<vmem>>
          %dma_start3A_1220 = tpu.memref_slice %arg3[%mul3A_1213, %mul3A_1215] : memref<100x16384xi32, #tpu.memory_space<hbm>> -> memref<1x256xi32, #tpu.memory_space<hbm>>
          %dma_start3A_1221 = tpu.memref_slice %run_scoped3A_9[%rem3A_1171] : memref<2x!tpu.dma_semaphore, #tpu.memory_space<semaphore_mem>> -> memref<1x!tpu.dma_semaphore, #tpu.memory_space<semaphore_mem>>
          %dma_start3A_1222 = tpu.memref_squeeze %dma_start3A_1221 : memref<1x!tpu.dma_semaphore, #tpu.memory_space<semaphore_mem>> -> memref<!tpu.dma_semaphore, #tpu.memory_space<semaphore_mem>>
          %dma_start3A_1223 = arith.constant 0 : i32
          %dma_start3A_1224 = arith.constant 0 : i32
          %dma_start3A_1225 = tpu.memref_slice %run_scoped3A[%rem3A_1171, %dma_start3A_1223, %dma_start3A_1224] : memref<2x1x256xi32, #tpu.memory_space<vmem>> -> memref<1x1x256xi32, #tpu.memory_space<vmem>>
          %dma_start3A_1226 = tpu.memref_squeeze %dma_start3A_1225 : memref<1x1x256xi32, #tpu.memory_space<vmem>> -> memref<1x256xi32, #tpu.memory_space<vmem>>
          %dma_start3A_1227 = tpu.memref_slice %arg3[%mul3A_1213, %mul3A_1215] : memref<100x16384xi32, #tpu.memory_space<hbm>> -> memref<1x256xi32, #tpu.memory_space<hbm>>
          tpu.enqueue_dma source(%dma_start3A_1227 : memref<1x256xi32, #tpu.memory_space<hbm>>) target(%dma_start3A_1226 : memref<1x256xi32, #tpu.memory_space<vmem>>) target_semaphore(%dma_start3A_1222 : memref<!tpu.dma_semaphore, #tpu.memory_space<semaphore_mem>>)
          "tpu.trace_stop"() : () -> ()
        } else {
        }
        %and3A_330 = arith.constant true
        %and3A_331 = arith.andi %and3A_326, %and3A_330 : i1
        %add3A_332 = arith.constant 1 : i32
        %add3A_333 = arith.addi %scan3A_203, %add3A_332 : i32
        %select_n3A_334 = arith.select %and3A_331, %add3A_333, %scan3A_203 : i32
        %jit3A_335 = arith.constant 64 : i32
        %div3A_336 = arith.divsi %add3A_212, %jit3A_335 : i32
        %sign3A_337 = arith.constant 0 : i32
        %sign3A_338 = arith.cmpi sgt, %add3A_212, %sign3A_337 : i32
        %sign3A_339 = arith.extui %sign3A_338 : i1 to i32
        %sign3A_340 = arith.constant 0 : i32
        %sign3A_341 = arith.cmpi slt, %add3A_212, %sign3A_340 : i32
        %sign3A_342 = arith.extui %sign3A_341 : i1 to i32
        %sign3A_343 = arith.subi %sign3A_339, %sign3A_342 : i32
        %sign3A_344 = arith.constant 0 : i32
        %sign3A_345 = arith.cmpi sgt, %jit3A_335, %sign3A_344 : i32
        %sign3A_346 = arith.extui %sign3A_345 : i1 to i32
        %sign3A_347 = arith.constant 0 : i32
        %sign3A_348 = arith.cmpi slt, %jit3A_335, %sign3A_347 : i32
        %sign3A_349 = arith.extui %sign3A_348 : i1 to i32
        %sign3A_350 = arith.subi %sign3A_346, %sign3A_349 : i32
        %ne3A_351 = arith.cmpi ne, %sign3A_343, %sign3A_350 : i32
        %rem3A_352 = arith.remsi %add3A_212, %jit3A_335 : i32
        %ne3A_353 = arith.constant 0 : i32
        %ne3A_354 = arith.cmpi ne, %rem3A_352, %ne3A_353 : i32
        %and3A_355 = arith.andi %ne3A_351, %ne3A_354 : i1
        %sub3A_356 = arith.constant 1 : i32
        %sub3A_357 = arith.subi %div3A_336, %sub3A_356 : i32
        %select_n3A_358 = arith.select %and3A_355, %sub3A_357, %div3A_336 : i32
        %jit3A_359 = arith.constant 64 : i32
        %eq3A_360 = arith.constant 0 : i32
        %eq3A_361 = arith.cmpi eq, %jit3A_359, %eq3A_360 : i32
        %jit3A_362 = arith.constant 1 : i32
        %select_n3A_363 = arith.select %eq3A_361, %jit3A_362, %jit3A_359 : i32
        %rem3A_364 = arith.remsi %add3A_212, %select_n3A_363 : i32
        %ne3A_365 = arith.constant 0 : i32
        %ne3A_366 = arith.cmpi ne, %rem3A_364, %ne3A_365 : i32
        %lt3A_367 = arith.constant 0 : i32
        %lt3A_368 = arith.cmpi slt, %rem3A_364, %lt3A_367 : i32
        %lt3A_369 = arith.constant 0 : i32
        %lt3A_370 = arith.cmpi slt, %select_n3A_363, %lt3A_369 : i32
        %ne3A_371 = arith.xori %lt3A_368, %lt3A_370 : i1
        %and3A_372 = arith.andi %ne3A_371, %ne3A_366 : i1
        %add3A_373 = arith.addi %rem3A_364, %select_n3A_363 : i32
        %select_n3A_374 = arith.select %and3A_372, %add3A_373, %rem3A_364 : i32
        %jit3A_375 = arith.constant 64 : i32
        %div3A_376 = arith.divsi %add3A_230, %jit3A_375 : i32
        %sign3A_377 = arith.constant 0 : i32
        %sign3A_378 = arith.cmpi sgt, %add3A_230, %sign3A_377 : i32
        %sign3A_379 = arith.extui %sign3A_378 : i1 to i32
        %sign3A_380 = arith.constant 0 : i32
        %sign3A_381 = arith.cmpi slt, %add3A_230, %sign3A_380 : i32
        %sign3A_382 = arith.extui %sign3A_381 : i1 to i32
        %sign3A_383 = arith.subi %sign3A_379, %sign3A_382 : i32
        %sign3A_384 = arith.constant 0 : i32
        %sign3A_385 = arith.cmpi sgt, %jit3A_375, %sign3A_384 : i32
        %sign3A_386 = arith.extui %sign3A_385 : i1 to i32
        %sign3A_387 = arith.constant 0 : i32
        %sign3A_388 = arith.cmpi slt, %jit3A_375, %sign3A_387 : i32
        %sign3A_389 = arith.extui %sign3A_388 : i1 to i32
        %sign3A_390 = arith.subi %sign3A_386, %sign3A_389 : i32
        %ne3A_391 = arith.cmpi ne, %sign3A_383, %sign3A_390 : i32
        %rem3A_392 = arith.remsi %add3A_230, %jit3A_375 : i32
        %ne3A_393 = arith.constant 0 : i32
        %ne3A_394 = arith.cmpi ne, %rem3A_392, %ne3A_393 : i32
        %and3A_395 = arith.andi %ne3A_391, %ne3A_394 : i1
        %sub3A_396 = arith.constant 1 : i32
        %sub3A_397 = arith.subi %div3A_376, %sub3A_396 : i32
        %select_n3A_398 = arith.select %and3A_395, %sub3A_397, %div3A_376 : i32
        %jit3A_399 = arith.constant 64 : i32
        %eq3A_400 = arith.constant 0 : i32
        %eq3A_401 = arith.cmpi eq, %jit3A_399, %eq3A_400 : i32
        %jit3A_402 = arith.constant 1 : i32
        %select_n3A_403 = arith.select %eq3A_401, %jit3A_402, %jit3A_399 : i32
        %rem3A_404 = arith.remsi %add3A_230, %select_n3A_403 : i32
        %ne3A_405 = arith.constant 0 : i32
        %ne3A_406 = arith.cmpi ne, %rem3A_404, %ne3A_405 : i32
        %lt3A_407 = arith.constant 0 : i32
        %lt3A_408 = arith.cmpi slt, %rem3A_404, %lt3A_407 : i32
        %lt3A_409 = arith.constant 0 : i32
        %lt3A_410 = arith.cmpi slt, %select_n3A_403, %lt3A_409 : i32
        %ne3A_411 = arith.xori %lt3A_408, %lt3A_410 : i1
        %and3A_412 = arith.andi %ne3A_411, %ne3A_406 : i1
        %add3A_413 = arith.addi %rem3A_404, %select_n3A_403 : i32
        %select_n3A_414 = arith.select %and3A_412, %add3A_413, %rem3A_404 : i32
        %ne3A_415 = arith.cmpi ne, %select_n3A_358, %select_n3A_398 : i32
        %ne3A_416 = arith.cmpi ne, %select_n3A_374, %select_n3A_414 : i32
        %or3A_417 = arith.constant false
        %or3A_418 = arith.ori %or3A_417, %ne3A_415 : i1
        %or3A_419 = arith.ori %or3A_418, %ne3A_416 : i1
        %or3A_420 = arith.constant false
        %or3A_421 = arith.ori %or3A_419, %or3A_420 : i1
        %ge3A_422 = arith.constant 199 : i32
        %ge3A_423 = arith.cmpi sge, %scan3A_202, %ge3A_422 : i32
        %not3A_424 = arith.constant true
        %not3A_425 = arith.xori %ge3A_423, %not3A_424 : i1
        %and3A_426 = arith.andi %or3A_421, %not3A_425 : i1
        %jit3A_427 = arith.constant 64 : i32
        %div3A_428 = arith.divsi %add3A_212, %jit3A_427 : i32
        %sign3A_429 = arith.constant 0 : i32
        %sign3A_430 = arith.cmpi sgt, %add3A_212, %sign3A_429 : i32
        %sign3A_431 = arith.extui %sign3A_430 : i1 to i32
        %sign3A_432 = arith.constant 0 : i32
        %sign3A_433 = arith.cmpi slt, %add3A_212, %sign3A_432 : i32
        %sign3A_434 = arith.extui %sign3A_433 : i1 to i32
        %sign3A_435 = arith.subi %sign3A_431, %sign3A_434 : i32
        %sign3A_436 = arith.constant 0 : i32
        %sign3A_437 = arith.cmpi sgt, %jit3A_427, %sign3A_436 : i32
        %sign3A_438 = arith.extui %sign3A_437 : i1 to i32
        %sign3A_439 = arith.constant 0 : i32
        %sign3A_440 = arith.cmpi slt, %jit3A_427, %sign3A_439 : i32
        %sign3A_441 = arith.extui %sign3A_440 : i1 to i32
        %sign3A_442 = arith.subi %sign3A_438, %sign3A_441 : i32
        %ne3A_443 = arith.cmpi ne, %sign3A_435, %sign3A_442 : i32
        %rem3A_444 = arith.remsi %add3A_212, %jit3A_427 : i32
        %ne3A_445 = arith.constant 0 : i32
        %ne3A_446 = arith.cmpi ne, %rem3A_444, %ne3A_445 : i32
        %and3A_447 = arith.andi %ne3A_443, %ne3A_446 : i1
        %sub3A_448 = arith.constant 1 : i32
        %sub3A_449 = arith.subi %div3A_428, %sub3A_448 : i32
        %select_n3A_450 = arith.select %and3A_447, %sub3A_449, %div3A_428 : i32
        %jit3A_451 = arith.constant 64 : i32
        %eq3A_452 = arith.constant 0 : i32
        %eq3A_453 = arith.cmpi eq, %jit3A_451, %eq3A_452 : i32
        %jit3A_454 = arith.constant 1 : i32
        %select_n3A_455 = arith.select %eq3A_453, %jit3A_454, %jit3A_451 : i32
        %rem3A_456 = arith.remsi %add3A_212, %select_n3A_455 : i32
        %ne3A_457 = arith.constant 0 : i32
        %ne3A_458 = arith.cmpi ne, %rem3A_456, %ne3A_457 : i32
        %lt3A_459 = arith.constant 0 : i32
        %lt3A_460 = arith.cmpi slt, %rem3A_456, %lt3A_459 : i32
        %lt3A_461 = arith.constant 0 : i32
        %lt3A_462 = arith.cmpi slt, %select_n3A_455, %lt3A_461 : i32
        %ne3A_463 = arith.xori %lt3A_460, %lt3A_462 : i1
        %and3A_464 = arith.andi %ne3A_463, %ne3A_458 : i1
        %add3A_465 = arith.addi %rem3A_456, %select_n3A_455 : i32
        %select_n3A_466 = arith.select %and3A_464, %add3A_465, %rem3A_456 : i32
        %jit3A_467 = arith.constant 64 : i32
        %div3A_468 = arith.divsi %add3A_221, %jit3A_467 : i32
        %sign3A_469 = arith.constant 0 : i32
        %sign3A_470 = arith.cmpi sgt, %add3A_221, %sign3A_469 : i32
        %sign3A_471 = arith.extui %sign3A_470 : i1 to i32
        %sign3A_472 = arith.constant 0 : i32
        %sign3A_473 = arith.cmpi slt, %add3A_221, %sign3A_472 : i32
        %sign3A_474 = arith.extui %sign3A_473 : i1 to i32
        %sign3A_475 = arith.subi %sign3A_471, %sign3A_474 : i32
        %sign3A_476 = arith.constant 0 : i32
        %sign3A_477 = arith.cmpi sgt, %jit3A_467, %sign3A_476 : i32
        %sign3A_478 = arith.extui %sign3A_477 : i1 to i32
        %sign3A_479 = arith.constant 0 : i32
        %sign3A_480 = arith.cmpi slt, %jit3A_467, %sign3A_479 : i32
        %sign3A_481 = arith.extui %sign3A_480 : i1 to i32
        %sign3A_482 = arith.subi %sign3A_478, %sign3A_481 : i32
        %ne3A_483 = arith.cmpi ne, %sign3A_475, %sign3A_482 : i32
        %rem3A_484 = arith.remsi %add3A_221, %jit3A_467 : i32
        %ne3A_485 = arith.constant 0 : i32
        %ne3A_486 = arith.cmpi ne, %rem3A_484, %ne3A_485 : i32
        %and3A_487 = arith.andi %ne3A_483, %ne3A_486 : i1
        %sub3A_488 = arith.constant 1 : i32
        %sub3A_489 = arith.subi %div3A_468, %sub3A_488 : i32
        %select_n3A_490 = arith.select %and3A_487, %sub3A_489, %div3A_468 : i32
        %jit3A_491 = arith.constant 64 : i32
        %eq3A_492 = arith.constant 0 : i32
        %eq3A_493 = arith.cmpi eq, %jit3A_491, %eq3A_492 : i32
        %jit3A_494 = arith.constant 1 : i32
        %select_n3A_495 = arith.select %eq3A_493, %jit3A_494, %jit3A_491 : i32
        %rem3A_496 = arith.remsi %add3A_221, %select_n3A_495 : i32
        %ne3A_497 = arith.constant 0 : i32
        %ne3A_498 = arith.cmpi ne, %rem3A_496, %ne3A_497 : i32
        %lt3A_499 = arith.constant 0 : i32
        %lt3A_500 = arith.cmpi slt, %rem3A_496, %lt3A_499 : i32
        %lt3A_501 = arith.constant 0 : i32
        %lt3A_502 = arith.cmpi slt, %select_n3A_495, %lt3A_501 : i32
        %ne3A_503 = arith.xori %lt3A_500, %lt3A_502 : i1
        %and3A_504 = arith.andi %ne3A_503, %ne3A_498 : i1
        %add3A_505 = arith.addi %rem3A_496, %select_n3A_495 : i32
        %select_n3A_506 = arith.select %and3A_504, %add3A_505, %rem3A_496 : i32
        %ne3A_507 = arith.cmpi ne, %select_n3A_450, %select_n3A_490 : i32
        %ne3A_508 = arith.cmpi ne, %select_n3A_466, %select_n3A_506 : i32
        %or3A_509 = arith.constant false
        %or3A_510 = arith.ori %or3A_509, %ne3A_507 : i1
        %or3A_511 = arith.ori %or3A_510, %ne3A_508 : i1
        %or3A_512 = arith.ori %or3A_511, %eq3A_209 : i1
        %convert_element_type3A_513 = arith.extui %or3A_512 : i1 to i32
        %cond3A_514 = arith.constant 0 : i32
        %cond3A_515 = arith.cmpi ne, %convert_element_type3A_513, %cond3A_514 : i32
        scf.if %cond3A_515 {
          %jit3A_1170 = arith.constant 64 : i32
          "tpu.trace_start"() <{level = 10 : i32, message = "ep_wait_in"}> : () -> ()
          %div3A_1171 = arith.divsi %add3A_212, %jit3A_1170 : i32
          %sign3A_1172 = arith.constant 0 : i32
          %sign3A_1173 = arith.cmpi sgt, %add3A_212, %sign3A_1172 : i32
          %sign3A_1174 = arith.extui %sign3A_1173 : i1 to i32
          %sign3A_1175 = arith.constant 0 : i32
          %sign3A_1176 = arith.cmpi slt, %add3A_212, %sign3A_1175 : i32
          %sign3A_1177 = arith.extui %sign3A_1176 : i1 to i32
          %sign3A_1178 = arith.subi %sign3A_1174, %sign3A_1177 : i32
          %sign3A_1179 = arith.constant 0 : i32
          %sign3A_1180 = arith.cmpi sgt, %jit3A_1170, %sign3A_1179 : i32
          %sign3A_1181 = arith.extui %sign3A_1180 : i1 to i32
          %sign3A_1182 = arith.constant 0 : i32
          %sign3A_1183 = arith.cmpi slt, %jit3A_1170, %sign3A_1182 : i32
          %sign3A_1184 = arith.extui %sign3A_1183 : i1 to i32
          %sign3A_1185 = arith.subi %sign3A_1181, %sign3A_1184 : i32
          %ne3A_1186 = arith.cmpi ne, %sign3A_1178, %sign3A_1185 : i32
          %rem3A_1187 = arith.remsi %add3A_212, %jit3A_1170 : i32
          %ne3A_1188 = arith.constant 0 : i32
          %ne3A_1189 = arith.cmpi ne, %rem3A_1187, %ne3A_1188 : i32
          %and3A_1190 = arith.andi %ne3A_1186, %ne3A_1189 : i1
          %sub3A_1191 = arith.constant 1 : i32
          %sub3A_1192 = arith.subi %div3A_1171, %sub3A_1191 : i32
          %select_n3A_1193 = arith.select %and3A_1190, %sub3A_1192, %div3A_1171 : i32
          %jit3A_1194 = arith.constant 64 : i32
          %eq3A_1195 = arith.constant 0 : i32
          %eq3A_1196 = arith.cmpi eq, %jit3A_1194, %eq3A_1195 : i32
          %jit3A_1197 = arith.constant 1 : i32
          %select_n3A_1198 = arith.select %eq3A_1196, %jit3A_1197, %jit3A_1194 : i32
          %rem3A_1199 = arith.remsi %add3A_212, %select_n3A_1198 : i32
          %ne3A_1200 = arith.constant 0 : i32
          %ne3A_1201 = arith.cmpi ne, %rem3A_1199, %ne3A_1200 : i32
          %lt3A_1202 = arith.constant 0 : i32
          %lt3A_1203 = arith.cmpi slt, %rem3A_1199, %lt3A_1202 : i32
          %lt3A_1204 = arith.constant 0 : i32
          %lt3A_1205 = arith.cmpi slt, %select_n3A_1198, %lt3A_1204 : i32
          %ne3A_1206 = arith.xori %lt3A_1203, %lt3A_1205 : i1
          %and3A_1207 = arith.andi %ne3A_1206, %ne3A_1201 : i1
          %add3A_1208 = arith.addi %rem3A_1199, %select_n3A_1198 : i32
          %select_n3A_1209 = arith.select %and3A_1207, %add3A_1208, %rem3A_1199 : i32
          %mul3A_1210 = arith.constant 1 : i32
          %mul3A_1211 = arith.muli %mul3A_1210, %select_n3A_1193 : i32
          %mul3A_1212 = arith.constant 256 : i32
          %mul3A_1213 = arith.muli %mul3A_1212, %select_n3A_1209 : i32
          %rem3A_1214 = arith.constant 2 : i32
          %rem3A_1215 = arith.remui %scan3A_204, %rem3A_1214 : i32
          %dma_wait3A_1216 = arith.constant 0 : i32
          %dma_wait3A_1217 = arith.constant 0 : i32
          %dma_wait3A_1218 = tpu.memref_slice %run_scoped3A[%rem3A_1215, %dma_wait3A_1216, %dma_wait3A_1217] : memref<2x1x256xi32, #tpu.memory_space<vmem>> -> memref<1x1x256xi32, #tpu.memory_space<vmem>>
          %dma_wait3A_1219 = tpu.memref_squeeze %dma_wait3A_1218 : memref<1x1x256xi32, #tpu.memory_space<vmem>> -> memref<1x256xi32, #tpu.memory_space<vmem>>
          %dma_wait3A_1220 = tpu.memref_slice %arg3[%mul3A_1211, %mul3A_1213] : memref<100x16384xi32, #tpu.memory_space<hbm>> -> memref<1x256xi32, #tpu.memory_space<hbm>>
          %dma_wait3A_1221 = tpu.memref_slice %run_scoped3A_9[%rem3A_1215] : memref<2x!tpu.dma_semaphore, #tpu.memory_space<semaphore_mem>> -> memref<1x!tpu.dma_semaphore, #tpu.memory_space<semaphore_mem>>
          %dma_wait3A_1222 = tpu.memref_squeeze %dma_wait3A_1221 : memref<1x!tpu.dma_semaphore, #tpu.memory_space<semaphore_mem>> -> memref<!tpu.dma_semaphore, #tpu.memory_space<semaphore_mem>>
          %dma_wait3A_1223 = arith.constant 0 : i32
          %dma_wait3A_1224 = arith.constant 0 : i32
          %dma_wait3A_1225 = tpu.memref_slice %run_scoped3A[%rem3A_1215, %dma_wait3A_1223, %dma_wait3A_1224] : memref<2x1x256xi32, #tpu.memory_space<vmem>> -> memref<1x1x256xi32, #tpu.memory_space<vmem>>
          %dma_wait3A_1226 = tpu.memref_squeeze %dma_wait3A_1225 : memref<1x1x256xi32, #tpu.memory_space<vmem>> -> memref<1x256xi32, #tpu.memory_space<vmem>>
          %dma_wait3A_1227 = tpu.memref_slice %arg3[%mul3A_1211, %mul3A_1213] : memref<100x16384xi32, #tpu.memory_space<hbm>> -> memref<1x256xi32, #tpu.memory_space<hbm>>
          tpu.wait_dma2 semaphore(%dma_wait3A_1222 : memref<!tpu.dma_semaphore, #tpu.memory_space<semaphore_mem>>) src(%dma_wait3A_1227 : memref<1x256xi32, #tpu.memory_space<hbm>>) dst(%dma_wait3A_1226 : memref<1x256xi32, #tpu.memory_space<vmem>>)
          "tpu.trace_stop"() : () -> ()
        } else {
        }
        %jit3A_516 = arith.constant 64 : i32
        %div3A_517 = arith.divsi %add3A_212, %jit3A_516 : i32
        %sign3A_518 = arith.constant 0 : i32
        %sign3A_519 = arith.cmpi sgt, %add3A_212, %sign3A_518 : i32
        %sign3A_520 = arith.extui %sign3A_519 : i1 to i32
        %sign3A_521 = arith.constant 0 : i32
        %sign3A_522 = arith.cmpi slt, %add3A_212, %sign3A_521 : i32
        %sign3A_523 = arith.extui %sign3A_522 : i1 to i32
        %sign3A_524 = arith.subi %sign3A_520, %sign3A_523 : i32
        %sign3A_525 = arith.constant 0 : i32
        %sign3A_526 = arith.cmpi sgt, %jit3A_516, %sign3A_525 : i32
        %sign3A_527 = arith.extui %sign3A_526 : i1 to i32
        %sign3A_528 = arith.constant 0 : i32
        %sign3A_529 = arith.cmpi slt, %jit3A_516, %sign3A_528 : i32
        %sign3A_530 = arith.extui %sign3A_529 : i1 to i32
        %sign3A_531 = arith.subi %sign3A_527, %sign3A_530 : i32
        %ne3A_532 = arith.cmpi ne, %sign3A_524, %sign3A_531 : i32
        %rem3A_533 = arith.remsi %add3A_212, %jit3A_516 : i32
        %ne3A_534 = arith.constant 0 : i32
        %ne3A_535 = arith.cmpi ne, %rem3A_533, %ne3A_534 : i32
        %and3A_536 = arith.andi %ne3A_532, %ne3A_535 : i1
        %sub3A_537 = arith.constant 1 : i32
        %sub3A_538 = arith.subi %div3A_517, %sub3A_537 : i32
        %select_n3A_539 = arith.select %and3A_536, %sub3A_538, %div3A_517 : i32
        %jit3A_540 = arith.constant 64 : i32
        %eq3A_541 = arith.constant 0 : i32
        %eq3A_542 = arith.cmpi eq, %jit3A_540, %eq3A_541 : i32
        %jit3A_543 = arith.constant 1 : i32
        %select_n3A_544 = arith.select %eq3A_542, %jit3A_543, %jit3A_540 : i32
        %rem3A_545 = arith.remsi %add3A_212, %select_n3A_544 : i32
        %ne3A_546 = arith.constant 0 : i32
        %ne3A_547 = arith.cmpi ne, %rem3A_545, %ne3A_546 : i32
        %lt3A_548 = arith.constant 0 : i32
        %lt3A_549 = arith.cmpi slt, %rem3A_545, %lt3A_548 : i32
        %lt3A_550 = arith.constant 0 : i32
        %lt3A_551 = arith.cmpi slt, %select_n3A_544, %lt3A_550 : i32
        %ne3A_552 = arith.xori %lt3A_549, %lt3A_551 : i1
        %and3A_553 = arith.andi %ne3A_552, %ne3A_547 : i1
        %add3A_554 = arith.addi %rem3A_545, %select_n3A_544 : i32
        %select_n3A_555 = arith.select %and3A_553, %add3A_554, %rem3A_545 : i32
        %jit3A_556 = arith.constant 64 : i32
        %div3A_557 = arith.divsi %add3A_221, %jit3A_556 : i32
        %sign3A_558 = arith.constant 0 : i32
        %sign3A_559 = arith.cmpi sgt, %add3A_221, %sign3A_558 : i32
        %sign3A_560 = arith.extui %sign3A_559 : i1 to i32
        %sign3A_561 = arith.constant 0 : i32
        %sign3A_562 = arith.cmpi slt, %add3A_221, %sign3A_561 : i32
        %sign3A_563 = arith.extui %sign3A_562 : i1 to i32
        %sign3A_564 = arith.subi %sign3A_560, %sign3A_563 : i32
        %sign3A_565 = arith.constant 0 : i32
        %sign3A_566 = arith.cmpi sgt, %jit3A_556, %sign3A_565 : i32
        %sign3A_567 = arith.extui %sign3A_566 : i1 to i32
        %sign3A_568 = arith.constant 0 : i32
        %sign3A_569 = arith.cmpi slt, %jit3A_556, %sign3A_568 : i32
        %sign3A_570 = arith.extui %sign3A_569 : i1 to i32
        %sign3A_571 = arith.subi %sign3A_567, %sign3A_570 : i32
        %ne3A_572 = arith.cmpi ne, %sign3A_564, %sign3A_571 : i32
        %rem3A_573 = arith.remsi %add3A_221, %jit3A_556 : i32
        %ne3A_574 = arith.constant 0 : i32
        %ne3A_575 = arith.cmpi ne, %rem3A_573, %ne3A_574 : i32
        %and3A_576 = arith.andi %ne3A_572, %ne3A_575 : i1
        %sub3A_577 = arith.constant 1 : i32
        %sub3A_578 = arith.subi %div3A_557, %sub3A_577 : i32
        %select_n3A_579 = arith.select %and3A_576, %sub3A_578, %div3A_557 : i32
        %jit3A_580 = arith.constant 64 : i32
        %eq3A_581 = arith.constant 0 : i32
        %eq3A_582 = arith.cmpi eq, %jit3A_580, %eq3A_581 : i32
        %jit3A_583 = arith.constant 1 : i32
        %select_n3A_584 = arith.select %eq3A_582, %jit3A_583, %jit3A_580 : i32
        %rem3A_585 = arith.remsi %add3A_221, %select_n3A_584 : i32
        %ne3A_586 = arith.constant 0 : i32
        %ne3A_587 = arith.cmpi ne, %rem3A_585, %ne3A_586 : i32
        %lt3A_588 = arith.constant 0 : i32
        %lt3A_589 = arith.cmpi slt, %rem3A_585, %lt3A_588 : i32
        %lt3A_590 = arith.constant 0 : i32
        %lt3A_591 = arith.cmpi slt, %select_n3A_584, %lt3A_590 : i32
        %ne3A_592 = arith.xori %lt3A_589, %lt3A_591 : i1
        %and3A_593 = arith.andi %ne3A_592, %ne3A_587 : i1
        %add3A_594 = arith.addi %rem3A_585, %select_n3A_584 : i32
        %select_n3A_595 = arith.select %and3A_593, %add3A_594, %rem3A_585 : i32
        %ne3A_596 = arith.cmpi ne, %select_n3A_539, %select_n3A_579 : i32
        %ne3A_597 = arith.cmpi ne, %select_n3A_555, %select_n3A_595 : i32
        %or3A_598 = arith.constant false
        %or3A_599 = arith.ori %or3A_598, %ne3A_596 : i1
        %or3A_600 = arith.ori %or3A_599, %ne3A_597 : i1
        %or3A_601 = arith.constant false
        %or3A_602 = arith.ori %or3A_600, %or3A_601 : i1
        %or3A_603 = arith.ori %or3A_602, %eq3A_209 : i1
        %convert_element_type3A_604 = arith.extui %or3A_603 : i1 to i32
        %cond3A_605 = arith.constant 0 : i32
        %cond3A_606 = arith.cmpi ne, %convert_element_type3A_604, %cond3A_605 : i32
        scf.if %cond3A_606 {
        } else {
        }
        %rem3A_607 = arith.constant 2 : i32
        %rem3A_608 = arith.remui %scan3A_204, %rem3A_607 : i32
        %rem3A_609 = arith.constant 2 : i32
        %rem3A_610 = arith.remui %scan3A_205, %rem3A_609 : i32
        %dma_start3A_611 = arith.constant 0 : i32
        %dma_start3A_612 = arith.constant 0 : i32
        "tpu.trace_start"() <{level = 10 : i32, message = "ep_run_kernel"}> : () -> ()
        %dma_start3A_613 = arith.constant 0 : i32
        %dma_start3A_614 = arith.constant 0 : i32
        %dma_start3A_615 = arith.constant 0 : i32
        %dma_start3A_616 = tpu.memref_slice %run_scoped3A_10[%rem3A_610, %dma_start3A_613, %dma_start3A_614, %dma_start3A_615] : memref<2x1x256x128xf32, #tpu.memory_space<vmem>> -> memref<1x1x256x128xf32, #tpu.memory_space<vmem>>
        %dma_start3A_617 = tpu.memref_squeeze %dma_start3A_616 : memref<1x1x256x128xf32, #tpu.memory_space<vmem>> -> memref<1x256x128xf32, #tpu.memory_space<vmem>>
        %dma_start3A_618 = arith.constant 0 : i32
        %dma_start3A_619 = arith.constant 0 : i32
        %dma_start3A_620 = tpu.memref_slice %dma_start3A_617[%dma_start3A_612, %dma_start3A_618, %dma_start3A_619] : memref<1x256x128xf32, #tpu.memory_space<vmem>> -> memref<1x128x128xf32, #tpu.memory_space<vmem>>
        %dma_start3A_621 = tpu.memref_squeeze %dma_start3A_620 : memref<1x128x128xf32, #tpu.memory_space<vmem>> -> memref<128x128xf32, #tpu.memory_space<vmem>>
        %dma_start3A_622 = arith.constant 0 : i32
        %dma_start3A_623 = arith.constant 0 : i32
        %dma_start3A_624 = tpu.memref_slice %run_scoped3A[%rem3A_608, %dma_start3A_622, %dma_start3A_623] : memref<2x1x256xi32, #tpu.memory_space<vmem>> -> memref<1x1x256xi32, #tpu.memory_space<vmem>>
        %dma_start3A_625 = tpu.memref_squeeze %dma_start3A_624 : memref<1x1x256xi32, #tpu.memory_space<vmem>> -> memref<1x256xi32, #tpu.memory_space<vmem>>
        %dma_start3A_626 = arith.constant 0 : i32
        %dma_start3A_627 = tpu.memref_slice %dma_start3A_625[%dma_start3A_611, %dma_start3A_626] : memref<1x256xi32, #tpu.memory_space<vmem>> -> memref<1x128xi32, #tpu.memory_space<vmem>>
        %dma_start3A_628 = tpu.memref_squeeze %dma_start3A_627 : memref<1x128xi32, #tpu.memory_space<vmem>> -> memref<128xi32, #tpu.memory_space<vmem>>
        %dma_start3A_629 = arith.constant 0 : i32
        %dma_start3A_630 = arith.constant 0 : i32
        %dma_start3A_631 = tpu.memref_slice %arg5[%dma_start3A_629, %dma_start3A_630] : memref<1000x128xf32, #tpu.memory_space<vmem_shared>> -> memref<1000x128xf32, #tpu.memory_space<vmem_shared>>
        tpu.enqueue_indirect_dma source(%dma_start3A_631 : memref<1000x128xf32, #tpu.memory_space<vmem_shared>>) target(%dma_start3A_621 : memref<128x128xf32, #tpu.memory_space<vmem>>) offsets(%dma_start3A_628 : memref<128xi32, #tpu.memory_space<vmem>>) semaphore(%arg6 : memref<!tpu.dma_semaphore, #tpu.memory_space<semaphore_mem>>)
        %dma_start3A_632 = arith.constant 0 : i32
        %dma_start3A_633 = arith.constant 0 : i32
        %dma_start3A_634 = arith.constant 0 : i32
        %dma_start3A_635 = arith.constant 0 : i32
        %dma_start3A_636 = arith.constant 0 : i32
        %dma_start3A_637 = tpu.memref_slice %run_scoped3A_10[%rem3A_610, %dma_start3A_634, %dma_start3A_635, %dma_start3A_636] : memref<2x1x256x128xf32, #tpu.memory_space<vmem>> -> memref<1x1x256x128xf32, #tpu.memory_space<vmem>>
        %dma_start3A_638 = tpu.memref_squeeze %dma_start3A_637 : memref<1x1x256x128xf32, #tpu.memory_space<vmem>> -> memref<1x256x128xf32, #tpu.memory_space<vmem>>
        %dma_start3A_639 = arith.constant 128 : i32
        %dma_start3A_640 = arith.constant 0 : i32
        %dma_start3A_641 = tpu.memref_slice %dma_start3A_638[%dma_start3A_633, %dma_start3A_639, %dma_start3A_640] : memref<1x256x128xf32, #tpu.memory_space<vmem>> -> memref<1x128x128xf32, #tpu.memory_space<vmem>>
        %dma_start3A_642 = tpu.memref_squeeze %dma_start3A_641 : memref<1x128x128xf32, #tpu.memory_space<vmem>> -> memref<128x128xf32, #tpu.memory_space<vmem>>
        %dma_start3A_643 = arith.constant 0 : i32
        %dma_start3A_644 = arith.constant 0 : i32
        %dma_start3A_645 = tpu.memref_slice %run_scoped3A[%rem3A_608, %dma_start3A_643, %dma_start3A_644] : memref<2x1x256xi32, #tpu.memory_space<vmem>> -> memref<1x1x256xi32, #tpu.memory_space<vmem>>
        %dma_start3A_646 = tpu.memref_squeeze %dma_start3A_645 : memref<1x1x256xi32, #tpu.memory_space<vmem>> -> memref<1x256xi32, #tpu.memory_space<vmem>>
        %dma_start3A_647 = arith.constant 128 : i32
        %dma_start3A_648 = tpu.memref_slice %dma_start3A_646[%dma_start3A_632, %dma_start3A_647] : memref<1x256xi32, #tpu.memory_space<vmem>> -> memref<1x128xi32, #tpu.memory_space<vmem>>
        %dma_start3A_649 = tpu.memref_squeeze %dma_start3A_648 : memref<1x128xi32, #tpu.memory_space<vmem>> -> memref<128xi32, #tpu.memory_space<vmem>>
        %dma_start3A_650 = arith.constant 0 : i32
        %dma_start3A_651 = arith.constant 0 : i32
        %dma_start3A_652 = tpu.memref_slice %arg5[%dma_start3A_650, %dma_start3A_651] : memref<1000x128xf32, #tpu.memory_space<vmem_shared>> -> memref<1000x128xf32, #tpu.memory_space<vmem_shared>>
        tpu.enqueue_indirect_dma source(%dma_start3A_652 : memref<1000x128xf32, #tpu.memory_space<vmem_shared>>) target(%dma_start3A_642 : memref<128x128xf32, #tpu.memory_space<vmem>>) offsets(%dma_start3A_649 : memref<128xi32, #tpu.memory_space<vmem>>) semaphore(%arg7 : memref<!tpu.dma_semaphore, #tpu.memory_space<semaphore_mem>>)
        %dma_wait3A_653 = arith.constant 0 : i32
        %dma_wait3A_654 = arith.constant 0 : i32
        %dma_wait3A_655 = arith.constant 0 : i32
        %dma_wait3A_656 = arith.constant 0 : i32
        %dma_wait3A_657 = arith.constant 0 : i32
        %dma_wait3A_658 = tpu.memref_slice %run_scoped3A_10[%rem3A_610, %dma_wait3A_655, %dma_wait3A_656, %dma_wait3A_657] : memref<2x1x256x128xf32, #tpu.memory_space<vmem>> -> memref<1x1x256x128xf32, #tpu.memory_space<vmem>>
        %dma_wait3A_659 = tpu.memref_squeeze %dma_wait3A_658 : memref<1x1x256x128xf32, #tpu.memory_space<vmem>> -> memref<1x256x128xf32, #tpu.memory_space<vmem>>
        %dma_wait3A_660 = arith.constant 0 : i32
        %dma_wait3A_661 = arith.constant 0 : i32
        %dma_wait3A_662 = tpu.memref_slice %dma_wait3A_659[%dma_wait3A_654, %dma_wait3A_660, %dma_wait3A_661] : memref<1x256x128xf32, #tpu.memory_space<vmem>> -> memref<1x128x128xf32, #tpu.memory_space<vmem>>
        %dma_wait3A_663 = tpu.memref_squeeze %dma_wait3A_662 : memref<1x128x128xf32, #tpu.memory_space<vmem>> -> memref<128x128xf32, #tpu.memory_space<vmem>>
        %dma_wait3A_664 = arith.constant 0 : i32
        %dma_wait3A_665 = arith.constant 0 : i32
        %dma_wait3A_666 = tpu.memref_slice %run_scoped3A[%rem3A_608, %dma_wait3A_664, %dma_wait3A_665] : memref<2x1x256xi32, #tpu.memory_space<vmem>> -> memref<1x1x256xi32, #tpu.memory_space<vmem>>
        %dma_wait3A_667 = tpu.memref_squeeze %dma_wait3A_666 : memref<1x1x256xi32, #tpu.memory_space<vmem>> -> memref<1x256xi32, #tpu.memory_space<vmem>>
        %dma_wait3A_668 = arith.constant 0 : i32
        %dma_wait3A_669 = tpu.memref_slice %dma_wait3A_667[%dma_wait3A_653, %dma_wait3A_668] : memref<1x256xi32, #tpu.memory_space<vmem>> -> memref<1x128xi32, #tpu.memory_space<vmem>>
        %dma_wait3A_670 = tpu.memref_squeeze %dma_wait3A_669 : memref<1x128xi32, #tpu.memory_space<vmem>> -> memref<128xi32, #tpu.memory_space<vmem>>
        %dma_wait3A_671 = arith.constant 0 : i32
        %dma_wait3A_672 = arith.constant 0 : i32
        %dma_wait3A_673 = tpu.memref_slice %arg5[%dma_wait3A_671, %dma_wait3A_672] : memref<1000x128xf32, #tpu.memory_space<vmem_shared>> -> memref<1000x128xf32, #tpu.memory_space<vmem_shared>>
        tpu.wait_indirect_dma semaphore(%arg6 : memref<!tpu.dma_semaphore, #tpu.memory_space<semaphore_mem>>) src(%dma_wait3A_673 : memref<1000x128xf32, #tpu.memory_space<vmem_shared>>) dst(%dma_wait3A_663 : memref<128x128xf32, #tpu.memory_space<vmem>>)
        %dma_wait3A_674 = arith.constant 0 : i32
        %dma_wait3A_675 = arith.constant 0 : i32
        %dma_wait3A_676 = arith.constant 0 : i32
        %dma_wait3A_677 = arith.constant 0 : i32
        %dma_wait3A_678 = arith.constant 0 : i32
        %dma_wait3A_679 = tpu.memref_slice %run_scoped3A_10[%rem3A_610, %dma_wait3A_676, %dma_wait3A_677, %dma_wait3A_678] : memref<2x1x256x128xf32, #tpu.memory_space<vmem>> -> memref<1x1x256x128xf32, #tpu.memory_space<vmem>>
        %dma_wait3A_680 = tpu.memref_squeeze %dma_wait3A_679 : memref<1x1x256x128xf32, #tpu.memory_space<vmem>> -> memref<1x256x128xf32, #tpu.memory_space<vmem>>
        %dma_wait3A_681 = arith.constant 128 : i32
        %dma_wait3A_682 = arith.constant 0 : i32
        %dma_wait3A_683 = tpu.memref_slice %dma_wait3A_680[%dma_wait3A_675, %dma_wait3A_681, %dma_wait3A_682] : memref<1x256x128xf32, #tpu.memory_space<vmem>> -> memref<1x128x128xf32, #tpu.memory_space<vmem>>
        %dma_wait3A_684 = tpu.memref_squeeze %dma_wait3A_683 : memref<1x128x128xf32, #tpu.memory_space<vmem>> -> memref<128x128xf32, #tpu.memory_space<vmem>>
        %dma_wait3A_685 = arith.constant 0 : i32
        %dma_wait3A_686 = arith.constant 0 : i32
        %dma_wait3A_687 = tpu.memref_slice %run_scoped3A[%rem3A_608, %dma_wait3A_685, %dma_wait3A_686] : memref<2x1x256xi32, #tpu.memory_space<vmem>> -> memref<1x1x256xi32, #tpu.memory_space<vmem>>
        %dma_wait3A_688 = tpu.memref_squeeze %dma_wait3A_687 : memref<1x1x256xi32, #tpu.memory_space<vmem>> -> memref<1x256xi32, #tpu.memory_space<vmem>>
        %dma_wait3A_689 = arith.constant 128 : i32
        %dma_wait3A_690 = tpu.memref_slice %dma_wait3A_688[%dma_wait3A_674, %dma_wait3A_689] : memref<1x256xi32, #tpu.memory_space<vmem>> -> memref<1x128xi32, #tpu.memory_space<vmem>>
        %dma_wait3A_691 = tpu.memref_squeeze %dma_wait3A_690 : memref<1x128xi32, #tpu.memory_space<vmem>> -> memref<128xi32, #tpu.memory_space<vmem>>
        %dma_wait3A_692 = arith.constant 0 : i32
        %dma_wait3A_693 = arith.constant 0 : i32
        %dma_wait3A_694 = tpu.memref_slice %arg5[%dma_wait3A_692, %dma_wait3A_693] : memref<1000x128xf32, #tpu.memory_space<vmem_shared>> -> memref<1000x128xf32, #tpu.memory_space<vmem_shared>>
        tpu.wait_indirect_dma semaphore(%arg7 : memref<!tpu.dma_semaphore, #tpu.memory_space<semaphore_mem>>) src(%dma_wait3A_694 : memref<1000x128xf32, #tpu.memory_space<vmem_shared>>) dst(%dma_wait3A_684 : memref<128x128xf32, #tpu.memory_space<vmem>>)
        %jit3A_695 = arith.constant 64 : i32
        "tpu.trace_stop"() : () -> ()
        %div3A_696 = arith.divsi %add3A_212, %jit3A_695 : i32
        %sign3A_697 = arith.constant 0 : i32
        %sign3A_698 = arith.cmpi sgt, %add3A_212, %sign3A_697 : i32
        %sign3A_699 = arith.extui %sign3A_698 : i1 to i32
        %sign3A_700 = arith.constant 0 : i32
        %sign3A_701 = arith.cmpi slt, %add3A_212, %sign3A_700 : i32
        %sign3A_702 = arith.extui %sign3A_701 : i1 to i32
        %sign3A_703 = arith.subi %sign3A_699, %sign3A_702 : i32
        %sign3A_704 = arith.constant 0 : i32
        %sign3A_705 = arith.cmpi sgt, %jit3A_695, %sign3A_704 : i32
        %sign3A_706 = arith.extui %sign3A_705 : i1 to i32
        %sign3A_707 = arith.constant 0 : i32
        %sign3A_708 = arith.cmpi slt, %jit3A_695, %sign3A_707 : i32
        %sign3A_709 = arith.extui %sign3A_708 : i1 to i32
        %sign3A_710 = arith.subi %sign3A_706, %sign3A_709 : i32
        %ne3A_711 = arith.cmpi ne, %sign3A_703, %sign3A_710 : i32
        %rem3A_712 = arith.remsi %add3A_212, %jit3A_695 : i32
        %ne3A_713 = arith.constant 0 : i32
        %ne3A_714 = arith.cmpi ne, %rem3A_712, %ne3A_713 : i32
        %and3A_715 = arith.andi %ne3A_711, %ne3A_714 : i1
        %sub3A_716 = arith.constant 1 : i32
        %sub3A_717 = arith.subi %div3A_696, %sub3A_716 : i32
        %select_n3A_718 = arith.select %and3A_715, %sub3A_717, %div3A_696 : i32
        %jit3A_719 = arith.constant 64 : i32
        %eq3A_720 = arith.constant 0 : i32
        %eq3A_721 = arith.cmpi eq, %jit3A_719, %eq3A_720 : i32
        %jit3A_722 = arith.constant 1 : i32
        %select_n3A_723 = arith.select %eq3A_721, %jit3A_722, %jit3A_719 : i32
        %rem3A_724 = arith.remsi %add3A_212, %select_n3A_723 : i32
        %ne3A_725 = arith.constant 0 : i32
        %ne3A_726 = arith.cmpi ne, %rem3A_724, %ne3A_725 : i32
        %lt3A_727 = arith.constant 0 : i32
        %lt3A_728 = arith.cmpi slt, %rem3A_724, %lt3A_727 : i32
        %lt3A_729 = arith.constant 0 : i32
        %lt3A_730 = arith.cmpi slt, %select_n3A_723, %lt3A_729 : i32
        %ne3A_731 = arith.xori %lt3A_728, %lt3A_730 : i1
        %and3A_732 = arith.andi %ne3A_731, %ne3A_726 : i1
        %add3A_733 = arith.addi %rem3A_724, %select_n3A_723 : i32
        %select_n3A_734 = arith.select %and3A_732, %add3A_733, %rem3A_724 : i32
        %jit3A_735 = arith.constant 64 : i32
        %div3A_736 = arith.divsi %add3A_230, %jit3A_735 : i32
        %sign3A_737 = arith.constant 0 : i32
        %sign3A_738 = arith.cmpi sgt, %add3A_230, %sign3A_737 : i32
        %sign3A_739 = arith.extui %sign3A_738 : i1 to i32
        %sign3A_740 = arith.constant 0 : i32
        %sign3A_741 = arith.cmpi slt, %add3A_230, %sign3A_740 : i32
        %sign3A_742 = arith.extui %sign3A_741 : i1 to i32
        %sign3A_743 = arith.subi %sign3A_739, %sign3A_742 : i32
        %sign3A_744 = arith.constant 0 : i32
        %sign3A_745 = arith.cmpi sgt, %jit3A_735, %sign3A_744 : i32
        %sign3A_746 = arith.extui %sign3A_745 : i1 to i32
        %sign3A_747 = arith.constant 0 : i32
        %sign3A_748 = arith.cmpi slt, %jit3A_735, %sign3A_747 : i32
        %sign3A_749 = arith.extui %sign3A_748 : i1 to i32
        %sign3A_750 = arith.subi %sign3A_746, %sign3A_749 : i32
        %ne3A_751 = arith.cmpi ne, %sign3A_743, %sign3A_750 : i32
        %rem3A_752 = arith.remsi %add3A_230, %jit3A_735 : i32
        %ne3A_753 = arith.constant 0 : i32
        %ne3A_754 = arith.cmpi ne, %rem3A_752, %ne3A_753 : i32
        %and3A_755 = arith.andi %ne3A_751, %ne3A_754 : i1
        %sub3A_756 = arith.constant 1 : i32
        %sub3A_757 = arith.subi %div3A_736, %sub3A_756 : i32
        %select_n3A_758 = arith.select %and3A_755, %sub3A_757, %div3A_736 : i32
        %jit3A_759 = arith.constant 64 : i32
        %eq3A_760 = arith.constant 0 : i32
        %eq3A_761 = arith.cmpi eq, %jit3A_759, %eq3A_760 : i32
        %jit3A_762 = arith.constant 1 : i32
        %select_n3A_763 = arith.select %eq3A_761, %jit3A_762, %jit3A_759 : i32
        %rem3A_764 = arith.remsi %add3A_230, %select_n3A_763 : i32
        %ne3A_765 = arith.constant 0 : i32
        %ne3A_766 = arith.cmpi ne, %rem3A_764, %ne3A_765 : i32
        %lt3A_767 = arith.constant 0 : i32
        %lt3A_768 = arith.cmpi slt, %rem3A_764, %lt3A_767 : i32
        %lt3A_769 = arith.constant 0 : i32
        %lt3A_770 = arith.cmpi slt, %select_n3A_763, %lt3A_769 : i32
        %ne3A_771 = arith.xori %lt3A_768, %lt3A_770 : i1
        %and3A_772 = arith.andi %ne3A_771, %ne3A_766 : i1
        %add3A_773 = arith.addi %rem3A_764, %select_n3A_763 : i32
        %select_n3A_774 = arith.select %and3A_772, %add3A_773, %rem3A_764 : i32
        %ne3A_775 = arith.cmpi ne, %select_n3A_718, %select_n3A_758 : i32
        %ne3A_776 = arith.cmpi ne, %select_n3A_734, %select_n3A_774 : i32
        %or3A_777 = arith.constant false
        %or3A_778 = arith.ori %or3A_777, %ne3A_775 : i1
        %or3A_779 = arith.ori %or3A_778, %ne3A_776 : i1
        %or3A_780 = arith.ori %or3A_779, %eq3A_211 : i1
        %convert_element_type3A_781 = arith.extui %or3A_780 : i1 to i32
        %cond3A_782 = arith.constant 0 : i32
        %cond3A_783 = arith.cmpi ne, %convert_element_type3A_781, %cond3A_782 : i32
        scf.if %cond3A_783 {
        } else {
        }
        %and3A_784 = arith.constant false
        %and3A_785 = arith.andi %or3A_780, %and3A_784 : i1
        %jit3A_786 = arith.constant 64 : i32
        %div3A_787 = arith.divsi %add3A_212, %jit3A_786 : i32
        %sign3A_788 = arith.constant 0 : i32
        %sign3A_789 = arith.cmpi sgt, %add3A_212, %sign3A_788 : i32
        %sign3A_790 = arith.extui %sign3A_789 : i1 to i32
        %sign3A_791 = arith.constant 0 : i32
        %sign3A_792 = arith.cmpi slt, %add3A_212, %sign3A_791 : i32
        %sign3A_793 = arith.extui %sign3A_792 : i1 to i32
        %sign3A_794 = arith.subi %sign3A_790, %sign3A_793 : i32
        %sign3A_795 = arith.constant 0 : i32
        %sign3A_796 = arith.cmpi sgt, %jit3A_786, %sign3A_795 : i32
        %sign3A_797 = arith.extui %sign3A_796 : i1 to i32
        %sign3A_798 = arith.constant 0 : i32
        %sign3A_799 = arith.cmpi slt, %jit3A_786, %sign3A_798 : i32
        %sign3A_800 = arith.extui %sign3A_799 : i1 to i32
        %sign3A_801 = arith.subi %sign3A_797, %sign3A_800 : i32
        %ne3A_802 = arith.cmpi ne, %sign3A_794, %sign3A_801 : i32
        %rem3A_803 = arith.remsi %add3A_212, %jit3A_786 : i32
        %ne3A_804 = arith.constant 0 : i32
        %ne3A_805 = arith.cmpi ne, %rem3A_803, %ne3A_804 : i32
        %and3A_806 = arith.andi %ne3A_802, %ne3A_805 : i1
        %sub3A_807 = arith.constant 1 : i32
        %sub3A_808 = arith.subi %div3A_787, %sub3A_807 : i32
        %select_n3A_809 = arith.select %and3A_806, %sub3A_808, %div3A_787 : i32
        %jit3A_810 = arith.constant 64 : i32
        %eq3A_811 = arith.constant 0 : i32
        %eq3A_812 = arith.cmpi eq, %jit3A_810, %eq3A_811 : i32
        %jit3A_813 = arith.constant 1 : i32
        %select_n3A_814 = arith.select %eq3A_812, %jit3A_813, %jit3A_810 : i32
        %rem3A_815 = arith.remsi %add3A_212, %select_n3A_814 : i32
        %ne3A_816 = arith.constant 0 : i32
        %ne3A_817 = arith.cmpi ne, %rem3A_815, %ne3A_816 : i32
        %lt3A_818 = arith.constant 0 : i32
        %lt3A_819 = arith.cmpi slt, %rem3A_815, %lt3A_818 : i32
        %lt3A_820 = arith.constant 0 : i32
        %lt3A_821 = arith.cmpi slt, %select_n3A_814, %lt3A_820 : i32
        %ne3A_822 = arith.xori %lt3A_819, %lt3A_821 : i1
        %and3A_823 = arith.andi %ne3A_822, %ne3A_817 : i1
        %add3A_824 = arith.addi %rem3A_815, %select_n3A_814 : i32
        %select_n3A_825 = arith.select %and3A_823, %add3A_824, %rem3A_815 : i32
        %jit3A_826 = arith.constant 64 : i32
        %div3A_827 = arith.divsi %add3A_230, %jit3A_826 : i32
        %sign3A_828 = arith.constant 0 : i32
        %sign3A_829 = arith.cmpi sgt, %add3A_230, %sign3A_828 : i32
        %sign3A_830 = arith.extui %sign3A_829 : i1 to i32
        %sign3A_831 = arith.constant 0 : i32
        %sign3A_832 = arith.cmpi slt, %add3A_230, %sign3A_831 : i32
        %sign3A_833 = arith.extui %sign3A_832 : i1 to i32
        %sign3A_834 = arith.subi %sign3A_830, %sign3A_833 : i32
        %sign3A_835 = arith.constant 0 : i32
        %sign3A_836 = arith.cmpi sgt, %jit3A_826, %sign3A_835 : i32
        %sign3A_837 = arith.extui %sign3A_836 : i1 to i32
        %sign3A_838 = arith.constant 0 : i32
        %sign3A_839 = arith.cmpi slt, %jit3A_826, %sign3A_838 : i32
        %sign3A_840 = arith.extui %sign3A_839 : i1 to i32
        %sign3A_841 = arith.subi %sign3A_837, %sign3A_840 : i32
        %ne3A_842 = arith.cmpi ne, %sign3A_834, %sign3A_841 : i32
        %rem3A_843 = arith.remsi %add3A_230, %jit3A_826 : i32
        %ne3A_844 = arith.constant 0 : i32
        %ne3A_845 = arith.cmpi ne, %rem3A_843, %ne3A_844 : i32
        %and3A_846 = arith.andi %ne3A_842, %ne3A_845 : i1
        %sub3A_847 = arith.constant 1 : i32
        %sub3A_848 = arith.subi %div3A_827, %sub3A_847 : i32
        %select_n3A_849 = arith.select %and3A_846, %sub3A_848, %div3A_827 : i32
        %jit3A_850 = arith.constant 64 : i32
        %eq3A_851 = arith.constant 0 : i32
        %eq3A_852 = arith.cmpi eq, %jit3A_850, %eq3A_851 : i32
        %jit3A_853 = arith.constant 1 : i32
        %select_n3A_854 = arith.select %eq3A_852, %jit3A_853, %jit3A_850 : i32
        %rem3A_855 = arith.remsi %add3A_230, %select_n3A_854 : i32
        %ne3A_856 = arith.constant 0 : i32
        %ne3A_857 = arith.cmpi ne, %rem3A_855, %ne3A_856 : i32
        %lt3A_858 = arith.constant 0 : i32
        %lt3A_859 = arith.cmpi slt, %rem3A_855, %lt3A_858 : i32
        %lt3A_860 = arith.constant 0 : i32
        %lt3A_861 = arith.cmpi slt, %select_n3A_854, %lt3A_860 : i32
        %ne3A_862 = arith.xori %lt3A_859, %lt3A_861 : i1
        %and3A_863 = arith.andi %ne3A_862, %ne3A_857 : i1
        %add3A_864 = arith.addi %rem3A_855, %select_n3A_854 : i32
        %select_n3A_865 = arith.select %and3A_863, %add3A_864, %rem3A_855 : i32
        %ne3A_866 = arith.cmpi ne, %select_n3A_809, %select_n3A_849 : i32
        %ne3A_867 = arith.cmpi ne, %select_n3A_825, %select_n3A_865 : i32
        %or3A_868 = arith.constant false
        %or3A_869 = arith.ori %or3A_868, %ne3A_866 : i1
        %or3A_870 = arith.ori %or3A_869, %ne3A_867 : i1
        %or3A_871 = arith.constant false
        %or3A_872 = arith.ori %or3A_870, %or3A_871 : i1
        %or3A_873 = arith.ori %or3A_872, %eq3A_211 : i1
        %convert_element_type3A_874 = arith.extui %or3A_873 : i1 to i32
        %cond3A_875 = arith.constant 0 : i32
        %cond3A_876 = arith.cmpi ne, %convert_element_type3A_874, %cond3A_875 : i32
        scf.if %cond3A_876 {
          "tpu.trace_start"() <{level = 10 : i32, message = "ep_copy_out"}> : () -> ()
          %rem3A_1170 = arith.constant 2 : i32
          %rem3A_1171 = arith.remui %scan3A_205, %rem3A_1170 : i32
          %jit3A_1172 = arith.constant 64 : i32
          %div3A_1173 = arith.divsi %add3A_212, %jit3A_1172 : i32
          %sign3A_1174 = arith.constant 0 : i32
          %sign3A_1175 = arith.cmpi sgt, %add3A_212, %sign3A_1174 : i32
          %sign3A_1176 = arith.extui %sign3A_1175 : i1 to i32
          %sign3A_1177 = arith.constant 0 : i32
          %sign3A_1178 = arith.cmpi slt, %add3A_212, %sign3A_1177 : i32
          %sign3A_1179 = arith.extui %sign3A_1178 : i1 to i32
          %sign3A_1180 = arith.subi %sign3A_1176, %sign3A_1179 : i32
          %sign3A_1181 = arith.constant 0 : i32
          %sign3A_1182 = arith.cmpi sgt, %jit3A_1172, %sign3A_1181 : i32
          %sign3A_1183 = arith.extui %sign3A_1182 : i1 to i32
          %sign3A_1184 = arith.constant 0 : i32
          %sign3A_1185 = arith.cmpi slt, %jit3A_1172, %sign3A_1184 : i32
          %sign3A_1186 = arith.extui %sign3A_1185 : i1 to i32
          %sign3A_1187 = arith.subi %sign3A_1183, %sign3A_1186 : i32
          %ne3A_1188 = arith.cmpi ne, %sign3A_1180, %sign3A_1187 : i32
          %rem3A_1189 = arith.remsi %add3A_212, %jit3A_1172 : i32
          %ne3A_1190 = arith.constant 0 : i32
          %ne3A_1191 = arith.cmpi ne, %rem3A_1189, %ne3A_1190 : i32
          %and3A_1192 = arith.andi %ne3A_1188, %ne3A_1191 : i1
          %sub3A_1193 = arith.constant 1 : i32
          %sub3A_1194 = arith.subi %div3A_1173, %sub3A_1193 : i32
          %select_n3A_1195 = arith.select %and3A_1192, %sub3A_1194, %div3A_1173 : i32
          %jit3A_1196 = arith.constant 64 : i32
          %eq3A_1197 = arith.constant 0 : i32
          %eq3A_1198 = arith.cmpi eq, %jit3A_1196, %eq3A_1197 : i32
          %jit3A_1199 = arith.constant 1 : i32
          %select_n3A_1200 = arith.select %eq3A_1198, %jit3A_1199, %jit3A_1196 : i32
          %rem3A_1201 = arith.remsi %add3A_212, %select_n3A_1200 : i32
          %ne3A_1202 = arith.constant 0 : i32
          %ne3A_1203 = arith.cmpi ne, %rem3A_1201, %ne3A_1202 : i32
          %lt3A_1204 = arith.constant 0 : i32
          %lt3A_1205 = arith.cmpi slt, %rem3A_1201, %lt3A_1204 : i32
          %lt3A_1206 = arith.constant 0 : i32
          %lt3A_1207 = arith.cmpi slt, %select_n3A_1200, %lt3A_1206 : i32
          %ne3A_1208 = arith.xori %lt3A_1205, %lt3A_1207 : i1
          %and3A_1209 = arith.andi %ne3A_1208, %ne3A_1203 : i1
          %add3A_1210 = arith.addi %rem3A_1201, %select_n3A_1200 : i32
          %select_n3A_1211 = arith.select %and3A_1209, %add3A_1210, %rem3A_1201 : i32
          %mul3A_1212 = arith.constant 1 : i32
          %mul3A_1213 = arith.muli %mul3A_1212, %select_n3A_1195 : i32
          %mul3A_1214 = arith.constant 256 : i32
          %mul3A_1215 = arith.muli %mul3A_1214, %select_n3A_1211 : i32
          %dma_start3A_1216 = arith.constant 0 : i32
          %dma_start3A_1217 = arith.constant 0 : i32
          %dma_start3A_1218 = arith.constant 0 : i32
          %dma_start3A_1219 = tpu.memref_slice %run_scoped3A_10[%rem3A_1171, %dma_start3A_1216, %dma_start3A_1217, %dma_start3A_1218] : memref<2x1x256x128xf32, #tpu.memory_space<vmem>> -> memref<1x1x256x128xf32, #tpu.memory_space<vmem>>
          %dma_start3A_1220 = tpu.memref_squeeze %dma_start3A_1219 : memref<1x1x256x128xf32, #tpu.memory_space<vmem>> -> memref<1x256x128xf32, #tpu.memory_space<vmem>>
          %dma_start3A_1221 = arith.constant 0 : i32
          %dma_start3A_1222 = tpu.memref_slice %arg4[%mul3A_1213, %mul3A_1215, %dma_start3A_1221] : memref<100x16384x128xf32, #tpu.memory_space<hbm>> -> memref<1x256x128xf32, #tpu.memory_space<hbm>>
          %dma_start3A_1223 = tpu.memref_slice %run_scoped3A_11[%rem3A_1171] : memref<2x!tpu.dma_semaphore, #tpu.memory_space<semaphore_mem>> -> memref<1x!tpu.dma_semaphore, #tpu.memory_space<semaphore_mem>>
          %dma_start3A_1224 = tpu.memref_squeeze %dma_start3A_1223 : memref<1x!tpu.dma_semaphore, #tpu.memory_space<semaphore_mem>> -> memref<!tpu.dma_semaphore, #tpu.memory_space<semaphore_mem>>
          %dma_start3A_1225 = arith.constant 0 : i32
          %dma_start3A_1226 = tpu.memref_slice %arg4[%mul3A_1213, %mul3A_1215, %dma_start3A_1225] : memref<100x16384x128xf32, #tpu.memory_space<hbm>> -> memref<1x256x128xf32, #tpu.memory_space<hbm>>
          %dma_start3A_1227 = arith.constant 0 : i32
          %dma_start3A_1228 = arith.constant 0 : i32
          %dma_start3A_1229 = arith.constant 0 : i32
          %dma_start3A_1230 = tpu.memref_slice %run_scoped3A_10[%rem3A_1171, %dma_start3A_1227, %dma_start3A_1228, %dma_start3A_1229] : memref<2x1x256x128xf32, #tpu.memory_space<vmem>> -> memref<1x1x256x128xf32, #tpu.memory_space<vmem>>
          %dma_start3A_1231 = tpu.memref_squeeze %dma_start3A_1230 : memref<1x1x256x128xf32, #tpu.memory_space<vmem>> -> memref<1x256x128xf32, #tpu.memory_space<vmem>>
          tpu.enqueue_dma source(%dma_start3A_1231 : memref<1x256x128xf32, #tpu.memory_space<vmem>>) target(%dma_start3A_1226 : memref<1x256x128xf32, #tpu.memory_space<hbm>>) target_semaphore(%dma_start3A_1224 : memref<!tpu.dma_semaphore, #tpu.memory_space<semaphore_mem>>)
          "tpu.trace_stop"() : () -> ()
        } else {
        }
        %and3A_877 = arith.constant true
        %and3A_878 = arith.andi %or3A_873, %and3A_877 : i1
        %add3A_879 = arith.constant 1 : i32
        %add3A_880 = arith.addi %scan3A_205, %add3A_879 : i32
        %select_n3A_881 = arith.select %and3A_878, %add3A_880, %scan3A_205 : i32
        %jit3A_882 = arith.constant 64 : i32
        %div3A_883 = arith.divsi %add3A_212, %jit3A_882 : i32
        %sign3A_884 = arith.constant 0 : i32
        %sign3A_885 = arith.cmpi sgt, %add3A_212, %sign3A_884 : i32
        %sign3A_886 = arith.extui %sign3A_885 : i1 to i32
        %sign3A_887 = arith.constant 0 : i32
        %sign3A_888 = arith.cmpi slt, %add3A_212, %sign3A_887 : i32
        %sign3A_889 = arith.extui %sign3A_888 : i1 to i32
        %sign3A_890 = arith.subi %sign3A_886, %sign3A_889 : i32
        %sign3A_891 = arith.constant 0 : i32
        %sign3A_892 = arith.cmpi sgt, %jit3A_882, %sign3A_891 : i32
        %sign3A_893 = arith.extui %sign3A_892 : i1 to i32
        %sign3A_894 = arith.constant 0 : i32
        %sign3A_895 = arith.cmpi slt, %jit3A_882, %sign3A_894 : i32
        %sign3A_896 = arith.extui %sign3A_895 : i1 to i32
        %sign3A_897 = arith.subi %sign3A_893, %sign3A_896 : i32
        %ne3A_898 = arith.cmpi ne, %sign3A_890, %sign3A_897 : i32
        %rem3A_899 = arith.remsi %add3A_212, %jit3A_882 : i32
        %ne3A_900 = arith.constant 0 : i32
        %ne3A_901 = arith.cmpi ne, %rem3A_899, %ne3A_900 : i32
        %and3A_902 = arith.andi %ne3A_898, %ne3A_901 : i1
        %sub3A_903 = arith.constant 1 : i32
        %sub3A_904 = arith.subi %div3A_883, %sub3A_903 : i32
        %select_n3A_905 = arith.select %and3A_902, %sub3A_904, %div3A_883 : i32
        %jit3A_906 = arith.constant 64 : i32
        %eq3A_907 = arith.constant 0 : i32
        %eq3A_908 = arith.cmpi eq, %jit3A_906, %eq3A_907 : i32
        %jit3A_909 = arith.constant 1 : i32
        %select_n3A_910 = arith.select %eq3A_908, %jit3A_909, %jit3A_906 : i32
        %rem3A_911 = arith.remsi %add3A_212, %select_n3A_910 : i32
        %ne3A_912 = arith.constant 0 : i32
        %ne3A_913 = arith.cmpi ne, %rem3A_911, %ne3A_912 : i32
        %lt3A_914 = arith.constant 0 : i32
        %lt3A_915 = arith.cmpi slt, %rem3A_911, %lt3A_914 : i32
        %lt3A_916 = arith.constant 0 : i32
        %lt3A_917 = arith.cmpi slt, %select_n3A_910, %lt3A_916 : i32
        %ne3A_918 = arith.xori %lt3A_915, %lt3A_917 : i1
        %and3A_919 = arith.andi %ne3A_918, %ne3A_913 : i1
        %add3A_920 = arith.addi %rem3A_911, %select_n3A_910 : i32
        %select_n3A_921 = arith.select %and3A_919, %add3A_920, %rem3A_911 : i32
        %jit3A_922 = arith.constant 64 : i32
        %div3A_923 = arith.divsi %add3A_221, %jit3A_922 : i32
        %sign3A_924 = arith.constant 0 : i32
        %sign3A_925 = arith.cmpi sgt, %add3A_221, %sign3A_924 : i32
        %sign3A_926 = arith.extui %sign3A_925 : i1 to i32
        %sign3A_927 = arith.constant 0 : i32
        %sign3A_928 = arith.cmpi slt, %add3A_221, %sign3A_927 : i32
        %sign3A_929 = arith.extui %sign3A_928 : i1 to i32
        %sign3A_930 = arith.subi %sign3A_926, %sign3A_929 : i32
        %sign3A_931 = arith.constant 0 : i32
        %sign3A_932 = arith.cmpi sgt, %jit3A_922, %sign3A_931 : i32
        %sign3A_933 = arith.extui %sign3A_932 : i1 to i32
        %sign3A_934 = arith.constant 0 : i32
        %sign3A_935 = arith.cmpi slt, %jit3A_922, %sign3A_934 : i32
        %sign3A_936 = arith.extui %sign3A_935 : i1 to i32
        %sign3A_937 = arith.subi %sign3A_933, %sign3A_936 : i32
        %ne3A_938 = arith.cmpi ne, %sign3A_930, %sign3A_937 : i32
        %rem3A_939 = arith.remsi %add3A_221, %jit3A_922 : i32
        %ne3A_940 = arith.constant 0 : i32
        %ne3A_941 = arith.cmpi ne, %rem3A_939, %ne3A_940 : i32
        %and3A_942 = arith.andi %ne3A_938, %ne3A_941 : i1
        %sub3A_943 = arith.constant 1 : i32
        %sub3A_944 = arith.subi %div3A_923, %sub3A_943 : i32
        %select_n3A_945 = arith.select %and3A_942, %sub3A_944, %div3A_923 : i32
        %jit3A_946 = arith.constant 64 : i32
        %eq3A_947 = arith.constant 0 : i32
        %eq3A_948 = arith.cmpi eq, %jit3A_946, %eq3A_947 : i32
        %jit3A_949 = arith.constant 1 : i32
        %select_n3A_950 = arith.select %eq3A_948, %jit3A_949, %jit3A_946 : i32
        %rem3A_951 = arith.remsi %add3A_221, %select_n3A_950 : i32
        %ne3A_952 = arith.constant 0 : i32
        %ne3A_953 = arith.cmpi ne, %rem3A_951, %ne3A_952 : i32
        %lt3A_954 = arith.constant 0 : i32
        %lt3A_955 = arith.cmpi slt, %rem3A_951, %lt3A_954 : i32
        %lt3A_956 = arith.constant 0 : i32
        %lt3A_957 = arith.cmpi slt, %select_n3A_950, %lt3A_956 : i32
        %ne3A_958 = arith.xori %lt3A_955, %lt3A_957 : i1
        %and3A_959 = arith.andi %ne3A_958, %ne3A_953 : i1
        %add3A_960 = arith.addi %rem3A_951, %select_n3A_950 : i32
        %select_n3A_961 = arith.select %and3A_959, %add3A_960, %rem3A_951 : i32
        %ne3A_962 = arith.cmpi ne, %select_n3A_905, %select_n3A_945 : i32
        %ne3A_963 = arith.cmpi ne, %select_n3A_921, %select_n3A_961 : i32
        %or3A_964 = arith.constant false
        %or3A_965 = arith.ori %or3A_964, %ne3A_962 : i1
        %or3A_966 = arith.ori %or3A_965, %ne3A_963 : i1
        %not3A_967 = arith.constant true
        %not3A_968 = arith.xori %eq3A_209, %not3A_967 : i1
        %and3A_969 = arith.andi %or3A_966, %not3A_968 : i1
        %convert_element_type3A_970 = arith.extui %and3A_969 : i1 to i32
        %cond3A_971 = arith.constant 0 : i32
        %cond3A_972 = arith.cmpi ne, %convert_element_type3A_970, %cond3A_971 : i32
        scf.if %cond3A_972 {
        } else {
        }
        %and3A_973 = arith.constant false
        %and3A_974 = arith.andi %and3A_969, %and3A_973 : i1
        %jit3A_975 = arith.constant 64 : i32
        %div3A_976 = arith.divsi %add3A_212, %jit3A_975 : i32
        %sign3A_977 = arith.constant 0 : i32
        %sign3A_978 = arith.cmpi sgt, %add3A_212, %sign3A_977 : i32
        %sign3A_979 = arith.extui %sign3A_978 : i1 to i32
        %sign3A_980 = arith.constant 0 : i32
        %sign3A_981 = arith.cmpi slt, %add3A_212, %sign3A_980 : i32
        %sign3A_982 = arith.extui %sign3A_981 : i1 to i32
        %sign3A_983 = arith.subi %sign3A_979, %sign3A_982 : i32
        %sign3A_984 = arith.constant 0 : i32
        %sign3A_985 = arith.cmpi sgt, %jit3A_975, %sign3A_984 : i32
        %sign3A_986 = arith.extui %sign3A_985 : i1 to i32
        %sign3A_987 = arith.constant 0 : i32
        %sign3A_988 = arith.cmpi slt, %jit3A_975, %sign3A_987 : i32
        %sign3A_989 = arith.extui %sign3A_988 : i1 to i32
        %sign3A_990 = arith.subi %sign3A_986, %sign3A_989 : i32
        %ne3A_991 = arith.cmpi ne, %sign3A_983, %sign3A_990 : i32
        %rem3A_992 = arith.remsi %add3A_212, %jit3A_975 : i32
        %ne3A_993 = arith.constant 0 : i32
        %ne3A_994 = arith.cmpi ne, %rem3A_992, %ne3A_993 : i32
        %and3A_995 = arith.andi %ne3A_991, %ne3A_994 : i1
        %sub3A_996 = arith.constant 1 : i32
        %sub3A_997 = arith.subi %div3A_976, %sub3A_996 : i32
        %select_n3A_998 = arith.select %and3A_995, %sub3A_997, %div3A_976 : i32
        %jit3A_999 = arith.constant 64 : i32
        %eq3A_1000 = arith.constant 0 : i32
        %eq3A_1001 = arith.cmpi eq, %jit3A_999, %eq3A_1000 : i32
        %jit3A_1002 = arith.constant 1 : i32
        %select_n3A_1003 = arith.select %eq3A_1001, %jit3A_1002, %jit3A_999 : i32
        %rem3A_1004 = arith.remsi %add3A_212, %select_n3A_1003 : i32
        %ne3A_1005 = arith.constant 0 : i32
        %ne3A_1006 = arith.cmpi ne, %rem3A_1004, %ne3A_1005 : i32
        %lt3A_1007 = arith.constant 0 : i32
        %lt3A_1008 = arith.cmpi slt, %rem3A_1004, %lt3A_1007 : i32
        %lt3A_1009 = arith.constant 0 : i32
        %lt3A_1010 = arith.cmpi slt, %select_n3A_1003, %lt3A_1009 : i32
        %ne3A_1011 = arith.xori %lt3A_1008, %lt3A_1010 : i1
        %and3A_1012 = arith.andi %ne3A_1011, %ne3A_1006 : i1
        %add3A_1013 = arith.addi %rem3A_1004, %select_n3A_1003 : i32
        %select_n3A_1014 = arith.select %and3A_1012, %add3A_1013, %rem3A_1004 : i32
        %jit3A_1015 = arith.constant 64 : i32
        %div3A_1016 = arith.divsi %add3A_221, %jit3A_1015 : i32
        %sign3A_1017 = arith.constant 0 : i32
        %sign3A_1018 = arith.cmpi sgt, %add3A_221, %sign3A_1017 : i32
        %sign3A_1019 = arith.extui %sign3A_1018 : i1 to i32
        %sign3A_1020 = arith.constant 0 : i32
        %sign3A_1021 = arith.cmpi slt, %add3A_221, %sign3A_1020 : i32
        %sign3A_1022 = arith.extui %sign3A_1021 : i1 to i32
        %sign3A_1023 = arith.subi %sign3A_1019, %sign3A_1022 : i32
        %sign3A_1024 = arith.constant 0 : i32
        %sign3A_1025 = arith.cmpi sgt, %jit3A_1015, %sign3A_1024 : i32
        %sign3A_1026 = arith.extui %sign3A_1025 : i1 to i32
        %sign3A_1027 = arith.constant 0 : i32
        %sign3A_1028 = arith.cmpi slt, %jit3A_1015, %sign3A_1027 : i32
        %sign3A_1029 = arith.extui %sign3A_1028 : i1 to i32
        %sign3A_1030 = arith.subi %sign3A_1026, %sign3A_1029 : i32
        %ne3A_1031 = arith.cmpi ne, %sign3A_1023, %sign3A_1030 : i32
        %rem3A_1032 = arith.remsi %add3A_221, %jit3A_1015 : i32
        %ne3A_1033 = arith.constant 0 : i32
        %ne3A_1034 = arith.cmpi ne, %rem3A_1032, %ne3A_1033 : i32
        %and3A_1035 = arith.andi %ne3A_1031, %ne3A_1034 : i1
        %sub3A_1036 = arith.constant 1 : i32
        %sub3A_1037 = arith.subi %div3A_1016, %sub3A_1036 : i32
        %select_n3A_1038 = arith.select %and3A_1035, %sub3A_1037, %div3A_1016 : i32
        %jit3A_1039 = arith.constant 64 : i32
        %eq3A_1040 = arith.constant 0 : i32
        %eq3A_1041 = arith.cmpi eq, %jit3A_1039, %eq3A_1040 : i32
        %jit3A_1042 = arith.constant 1 : i32
        %select_n3A_1043 = arith.select %eq3A_1041, %jit3A_1042, %jit3A_1039 : i32
        %rem3A_1044 = arith.remsi %add3A_221, %select_n3A_1043 : i32
        %ne3A_1045 = arith.constant 0 : i32
        %ne3A_1046 = arith.cmpi ne, %rem3A_1044, %ne3A_1045 : i32
        %lt3A_1047 = arith.constant 0 : i32
        %lt3A_1048 = arith.cmpi slt, %rem3A_1044, %lt3A_1047 : i32
        %lt3A_1049 = arith.constant 0 : i32
        %lt3A_1050 = arith.cmpi slt, %select_n3A_1043, %lt3A_1049 : i32
        %ne3A_1051 = arith.xori %lt3A_1048, %lt3A_1050 : i1
        %and3A_1052 = arith.andi %ne3A_1051, %ne3A_1046 : i1
        %add3A_1053 = arith.addi %rem3A_1044, %select_n3A_1043 : i32
        %select_n3A_1054 = arith.select %and3A_1052, %add3A_1053, %rem3A_1044 : i32
        %ne3A_1055 = arith.cmpi ne, %select_n3A_998, %select_n3A_1038 : i32
        %ne3A_1056 = arith.cmpi ne, %select_n3A_1014, %select_n3A_1054 : i32
        %or3A_1057 = arith.constant false
        %or3A_1058 = arith.ori %or3A_1057, %ne3A_1055 : i1
        %or3A_1059 = arith.ori %or3A_1058, %ne3A_1056 : i1
        %or3A_1060 = arith.constant false
        %or3A_1061 = arith.ori %or3A_1059, %or3A_1060 : i1
        %not3A_1062 = arith.constant true
        %not3A_1063 = arith.xori %eq3A_209, %not3A_1062 : i1
        %and3A_1064 = arith.andi %or3A_1061, %not3A_1063 : i1
        %convert_element_type3A_1065 = arith.extui %and3A_1064 : i1 to i32
        %cond3A_1066 = arith.constant 0 : i32
        %cond3A_1067 = arith.cmpi ne, %convert_element_type3A_1065, %cond3A_1066 : i32
        scf.if %cond3A_1067 {
          "tpu.trace_start"() <{level = 10 : i32, message = "ep_wait_out"}> : () -> ()
          %rem3A_1170 = arith.constant 2 : i32
          %rem3A_1171 = arith.remui %scan3A_206, %rem3A_1170 : i32
          %jit3A_1172 = arith.constant 64 : i32
          %div3A_1173 = arith.divsi %add3A_221, %jit3A_1172 : i32
          %sign3A_1174 = arith.constant 0 : i32
          %sign3A_1175 = arith.cmpi sgt, %add3A_221, %sign3A_1174 : i32
          %sign3A_1176 = arith.extui %sign3A_1175 : i1 to i32
          %sign3A_1177 = arith.constant 0 : i32
          %sign3A_1178 = arith.cmpi slt, %add3A_221, %sign3A_1177 : i32
          %sign3A_1179 = arith.extui %sign3A_1178 : i1 to i32
          %sign3A_1180 = arith.subi %sign3A_1176, %sign3A_1179 : i32
          %sign3A_1181 = arith.constant 0 : i32
          %sign3A_1182 = arith.cmpi sgt, %jit3A_1172, %sign3A_1181 : i32
          %sign3A_1183 = arith.extui %sign3A_1182 : i1 to i32
          %sign3A_1184 = arith.constant 0 : i32
          %sign3A_1185 = arith.cmpi slt, %jit3A_1172, %sign3A_1184 : i32
          %sign3A_1186 = arith.extui %sign3A_1185 : i1 to i32
          %sign3A_1187 = arith.subi %sign3A_1183, %sign3A_1186 : i32
          %ne3A_1188 = arith.cmpi ne, %sign3A_1180, %sign3A_1187 : i32
          %rem3A_1189 = arith.remsi %add3A_221, %jit3A_1172 : i32
          %ne3A_1190 = arith.constant 0 : i32
          %ne3A_1191 = arith.cmpi ne, %rem3A_1189, %ne3A_1190 : i32
          %and3A_1192 = arith.andi %ne3A_1188, %ne3A_1191 : i1
          %sub3A_1193 = arith.constant 1 : i32
          %sub3A_1194 = arith.subi %div3A_1173, %sub3A_1193 : i32
          %select_n3A_1195 = arith.select %and3A_1192, %sub3A_1194, %div3A_1173 : i32
          %jit3A_1196 = arith.constant 64 : i32
          %eq3A_1197 = arith.constant 0 : i32
          %eq3A_1198 = arith.cmpi eq, %jit3A_1196, %eq3A_1197 : i32
          %jit3A_1199 = arith.constant 1 : i32
          %select_n3A_1200 = arith.select %eq3A_1198, %jit3A_1199, %jit3A_1196 : i32
          %rem3A_1201 = arith.remsi %add3A_221, %select_n3A_1200 : i32
          %ne3A_1202 = arith.constant 0 : i32
          %ne3A_1203 = arith.cmpi ne, %rem3A_1201, %ne3A_1202 : i32
          %lt3A_1204 = arith.constant 0 : i32
          %lt3A_1205 = arith.cmpi slt, %rem3A_1201, %lt3A_1204 : i32
          %lt3A_1206 = arith.constant 0 : i32
          %lt3A_1207 = arith.cmpi slt, %select_n3A_1200, %lt3A_1206 : i32
          %ne3A_1208 = arith.xori %lt3A_1205, %lt3A_1207 : i1
          %and3A_1209 = arith.andi %ne3A_1208, %ne3A_1203 : i1
          %add3A_1210 = arith.addi %rem3A_1201, %select_n3A_1200 : i32
          %select_n3A_1211 = arith.select %and3A_1209, %add3A_1210, %rem3A_1201 : i32
          %mul3A_1212 = arith.constant 1 : i32
          %mul3A_1213 = arith.muli %mul3A_1212, %select_n3A_1195 : i32
          %mul3A_1214 = arith.constant 256 : i32
          %mul3A_1215 = arith.muli %mul3A_1214, %select_n3A_1211 : i32
          %dma_wait3A_1216 = arith.constant 0 : i32
          %dma_wait3A_1217 = arith.constant 0 : i32
          %dma_wait3A_1218 = arith.constant 0 : i32
          %dma_wait3A_1219 = tpu.memref_slice %run_scoped3A_10[%rem3A_1171, %dma_wait3A_1216, %dma_wait3A_1217, %dma_wait3A_1218] : memref<2x1x256x128xf32, #tpu.memory_space<vmem>> -> memref<1x1x256x128xf32, #tpu.memory_space<vmem>>
          %dma_wait3A_1220 = tpu.memref_squeeze %dma_wait3A_1219 : memref<1x1x256x128xf32, #tpu.memory_space<vmem>> -> memref<1x256x128xf32, #tpu.memory_space<vmem>>
          %dma_wait3A_1221 = arith.constant 0 : i32
          %dma_wait3A_1222 = tpu.memref_slice %arg4[%mul3A_1213, %mul3A_1215, %dma_wait3A_1221] : memref<100x16384x128xf32, #tpu.memory_space<hbm>> -> memref<1x256x128xf32, #tpu.memory_space<hbm>>
          %dma_wait3A_1223 = tpu.memref_slice %run_scoped3A_11[%rem3A_1171] : memref<2x!tpu.dma_semaphore, #tpu.memory_space<semaphore_mem>> -> memref<1x!tpu.dma_semaphore, #tpu.memory_space<semaphore_mem>>
          %dma_wait3A_1224 = tpu.memref_squeeze %dma_wait3A_1223 : memref<1x!tpu.dma_semaphore, #tpu.memory_space<semaphore_mem>> -> memref<!tpu.dma_semaphore, #tpu.memory_space<semaphore_mem>>
          %dma_wait3A_1225 = arith.constant 0 : i32
          %dma_wait3A_1226 = tpu.memref_slice %arg4[%mul3A_1213, %mul3A_1215, %dma_wait3A_1225] : memref<100x16384x128xf32, #tpu.memory_space<hbm>> -> memref<1x256x128xf32, #tpu.memory_space<hbm>>
          %dma_wait3A_1227 = arith.constant 0 : i32
          %dma_wait3A_1228 = arith.constant 0 : i32
          %dma_wait3A_1229 = arith.constant 0 : i32
          %dma_wait3A_1230 = tpu.memref_slice %run_scoped3A_10[%rem3A_1171, %dma_wait3A_1227, %dma_wait3A_1228, %dma_wait3A_1229] : memref<2x1x256x128xf32, #tpu.memory_space<vmem>> -> memref<1x1x256x128xf32, #tpu.memory_space<vmem>>
          %dma_wait3A_1231 = tpu.memref_squeeze %dma_wait3A_1230 : memref<1x1x256x128xf32, #tpu.memory_space<vmem>> -> memref<1x256x128xf32, #tpu.memory_space<vmem>>
          tpu.wait_dma2 semaphore(%dma_wait3A_1224 : memref<!tpu.dma_semaphore, #tpu.memory_space<semaphore_mem>>) src(%dma_wait3A_1231 : memref<1x256x128xf32, #tpu.memory_space<vmem>>) dst(%dma_wait3A_1226 : memref<1x256x128xf32, #tpu.memory_space<hbm>>)
          "tpu.trace_stop"() : () -> ()
        } else {
        }
        %and3A_1068 = arith.constant true
        %and3A_1069 = arith.andi %and3A_1064, %and3A_1068 : i1
        %add3A_1070 = arith.constant 1 : i32
        %add3A_1071 = arith.addi %scan3A_206, %add3A_1070 : i32
        %select_n3A_1072 = arith.select %and3A_1069, %add3A_1071, %scan3A_206 : i32
        %jit3A_1073 = arith.constant 64 : i32
        %div3A_1074 = arith.divsi %add3A_212, %jit3A_1073 : i32
        %sign3A_1075 = arith.constant 0 : i32
        %sign3A_1076 = arith.cmpi sgt, %add3A_212, %sign3A_1075 : i32
        %sign3A_1077 = arith.extui %sign3A_1076 : i1 to i32
        %sign3A_1078 = arith.constant 0 : i32
        %sign3A_1079 = arith.cmpi slt, %add3A_212, %sign3A_1078 : i32
        %sign3A_1080 = arith.extui %sign3A_1079 : i1 to i32
        %sign3A_1081 = arith.subi %sign3A_1077, %sign3A_1080 : i32
        %sign3A_1082 = arith.constant 0 : i32
        %sign3A_1083 = arith.cmpi sgt, %jit3A_1073, %sign3A_1082 : i32
        %sign3A_1084 = arith.extui %sign3A_1083 : i1 to i32
        %sign3A_1085 = arith.constant 0 : i32
        %sign3A_1086 = arith.cmpi slt, %jit3A_1073, %sign3A_1085 : i32
        %sign3A_1087 = arith.extui %sign3A_1086 : i1 to i32
        %sign3A_1088 = arith.subi %sign3A_1084, %sign3A_1087 : i32
        %ne3A_1089 = arith.cmpi ne, %sign3A_1081, %sign3A_1088 : i32
        %rem3A_1090 = arith.remsi %add3A_212, %jit3A_1073 : i32
        %ne3A_1091 = arith.constant 0 : i32
        %ne3A_1092 = arith.cmpi ne, %rem3A_1090, %ne3A_1091 : i32
        %and3A_1093 = arith.andi %ne3A_1089, %ne3A_1092 : i1
        %sub3A_1094 = arith.constant 1 : i32
        %sub3A_1095 = arith.subi %div3A_1074, %sub3A_1094 : i32
        %select_n3A_1096 = arith.select %and3A_1093, %sub3A_1095, %div3A_1074 : i32
        %jit3A_1097 = arith.constant 64 : i32
        %eq3A_1098 = arith.constant 0 : i32
        %eq3A_1099 = arith.cmpi eq, %jit3A_1097, %eq3A_1098 : i32
        %jit3A_1100 = arith.constant 1 : i32
        %select_n3A_1101 = arith.select %eq3A_1099, %jit3A_1100, %jit3A_1097 : i32
        %rem3A_1102 = arith.remsi %add3A_212, %select_n3A_1101 : i32
        %ne3A_1103 = arith.constant 0 : i32
        %ne3A_1104 = arith.cmpi ne, %rem3A_1102, %ne3A_1103 : i32
        %lt3A_1105 = arith.constant 0 : i32
        %lt3A_1106 = arith.cmpi slt, %rem3A_1102, %lt3A_1105 : i32
        %lt3A_1107 = arith.constant 0 : i32
        %lt3A_1108 = arith.cmpi slt, %select_n3A_1101, %lt3A_1107 : i32
        %ne3A_1109 = arith.xori %lt3A_1106, %lt3A_1108 : i1
        %and3A_1110 = arith.andi %ne3A_1109, %ne3A_1104 : i1
        %add3A_1111 = arith.addi %rem3A_1102, %select_n3A_1101 : i32
        %select_n3A_1112 = arith.select %and3A_1110, %add3A_1111, %rem3A_1102 : i32
        %jit3A_1113 = arith.constant 64 : i32
        %div3A_1114 = arith.divsi %add3A_230, %jit3A_1113 : i32
        %sign3A_1115 = arith.constant 0 : i32
        %sign3A_1116 = arith.cmpi sgt, %add3A_230, %sign3A_1115 : i32
        %sign3A_1117 = arith.extui %sign3A_1116 : i1 to i32
        %sign3A_1118 = arith.constant 0 : i32
        %sign3A_1119 = arith.cmpi slt, %add3A_230, %sign3A_1118 : i32
        %sign3A_1120 = arith.extui %sign3A_1119 : i1 to i32
        %sign3A_1121 = arith.subi %sign3A_1117, %sign3A_1120 : i32
        %sign3A_1122 = arith.constant 0 : i32
        %sign3A_1123 = arith.cmpi sgt, %jit3A_1113, %sign3A_1122 : i32
        %sign3A_1124 = arith.extui %sign3A_1123 : i1 to i32
        %sign3A_1125 = arith.constant 0 : i32
        %sign3A_1126 = arith.cmpi slt, %jit3A_1113, %sign3A_1125 : i32
        %sign3A_1127 = arith.extui %sign3A_1126 : i1 to i32
        %sign3A_1128 = arith.subi %sign3A_1124, %sign3A_1127 : i32
        %ne3A_1129 = arith.cmpi ne, %sign3A_1121, %sign3A_1128 : i32
        %rem3A_1130 = arith.remsi %add3A_230, %jit3A_1113 : i32
        %ne3A_1131 = arith.constant 0 : i32
        %ne3A_1132 = arith.cmpi ne, %rem3A_1130, %ne3A_1131 : i32
        %and3A_1133 = arith.andi %ne3A_1129, %ne3A_1132 : i1
        %sub3A_1134 = arith.constant 1 : i32
        %sub3A_1135 = arith.subi %div3A_1114, %sub3A_1134 : i32
        %select_n3A_1136 = arith.select %and3A_1133, %sub3A_1135, %div3A_1114 : i32
        %jit3A_1137 = arith.constant 64 : i32
        %eq3A_1138 = arith.constant 0 : i32
        %eq3A_1139 = arith.cmpi eq, %jit3A_1137, %eq3A_1138 : i32
        %jit3A_1140 = arith.constant 1 : i32
        %select_n3A_1141 = arith.select %eq3A_1139, %jit3A_1140, %jit3A_1137 : i32
        %rem3A_1142 = arith.remsi %add3A_230, %select_n3A_1141 : i32
        %ne3A_1143 = arith.constant 0 : i32
        %ne3A_1144 = arith.cmpi ne, %rem3A_1142, %ne3A_1143 : i32
        %lt3A_1145 = arith.constant 0 : i32
        %lt3A_1146 = arith.cmpi slt, %rem3A_1142, %lt3A_1145 : i32
        %lt3A_1147 = arith.constant 0 : i32
        %lt3A_1148 = arith.cmpi slt, %select_n3A_1141, %lt3A_1147 : i32
        %ne3A_1149 = arith.xori %lt3A_1146, %lt3A_1148 : i1
        %and3A_1150 = arith.andi %ne3A_1149, %ne3A_1144 : i1
        %add3A_1151 = arith.addi %rem3A_1142, %select_n3A_1141 : i32
        %select_n3A_1152 = arith.select %and3A_1150, %add3A_1151, %rem3A_1142 : i32
        %ne3A_1153 = arith.cmpi ne, %select_n3A_1096, %select_n3A_1136 : i32
        %ne3A_1154 = arith.cmpi ne, %select_n3A_1112, %select_n3A_1152 : i32
        %or3A_1155 = arith.constant false
        %or3A_1156 = arith.ori %or3A_1155, %ne3A_1153 : i1
        %or3A_1157 = arith.ori %or3A_1156, %ne3A_1154 : i1
        %or3A_1158 = arith.ori %or3A_1157, %eq3A_211 : i1
        %add3A_1159 = arith.constant 1 : i32
        %add3A_1160 = arith.addi %scan3A_204, %add3A_1159 : i32
        %select_n3A_1161 = arith.select %or3A_1158, %add3A_1160, %scan3A_204 : i32
        %add3A_1162 = arith.constant 1 : i32
        %add3A_1163 = arith.addi %scan3A_207, %add3A_1162 : i32
        %select_n3A_1164 = arith.constant true
        %select_n3A_1165 = arith.select %select_n3A_1164, %add3A_1163, %scan3A_207 : i32
        %eq3A_1166 = arith.constant 200 : i32
        %eq3A_1167 = arith.cmpi eq, %select_n3A_1165, %eq3A_1166 : i32
        %select_n3A_1168 = arith.constant 0 : i32
        %select_n3A_1169 = arith.select %eq3A_1167, %select_n3A_1168, %select_n3A_1165 : i32
        scf.yield %select_n3A_334, %select_n3A_1161, %select_n3A_881, %select_n3A_1072, %select_n3A_1169 : i32, i32, i32, i32, i32
      }
      %scan3A_104 = arith.constant 200 : i32
      %sub3A_105 = arith.constant 1 : i32
      %sub3A_106 = arith.subi %scan3A_103#4, %sub3A_105 : i32
      %select_n3A_107 = arith.constant true
      %select_n3A_108 = arith.select %select_n3A_107, %sub3A_106, %scan3A_103#4 : i32
      %eq3A_109 = arith.constant -1 : i32
      %eq3A_110 = arith.cmpi eq, %select_n3A_108, %eq3A_109 : i32
      %select_n3A_111 = arith.constant 199 : i32
      %select_n3A_112 = arith.select %eq3A_110, %select_n3A_111, %select_n3A_108 : i32
      %add3A_113 = arith.addi %select_n3A_112, %mul3A_8 : i32
      %sub3A_114 = arith.constant 1 : i32
      %sub3A_115 = arith.subi %select_n3A_112, %sub3A_114 : i32
      %select_n3A_116 = arith.constant true
      %select_n3A_117 = arith.select %select_n3A_116, %sub3A_115, %select_n3A_112 : i32
      %eq3A_118 = arith.constant -1 : i32
      %eq3A_119 = arith.cmpi eq, %select_n3A_117, %eq3A_118 : i32
      %select_n3A_120 = arith.constant 199 : i32
      %select_n3A_121 = arith.select %eq3A_119, %select_n3A_120, %select_n3A_117 : i32
      %add3A_122 = arith.addi %select_n3A_121, %mul3A_8 : i32
      %add3A_123 = arith.constant 1 : i32
      %add3A_124 = arith.addi %select_n3A_112, %add3A_123 : i32
      %select_n3A_125 = arith.constant true
      %select_n3A_126 = arith.select %select_n3A_125, %add3A_124, %select_n3A_112 : i32
      %eq3A_127 = arith.constant 200 : i32
      %eq3A_128 = arith.cmpi eq, %select_n3A_126, %eq3A_127 : i32
      %select_n3A_129 = arith.constant 0 : i32
      %select_n3A_130 = arith.select %eq3A_128, %select_n3A_129, %select_n3A_126 : i32
      %add3A_131 = arith.addi %select_n3A_130, %mul3A_8 : i32
      %add3A_132 = arith.constant 1 : i32
      %add3A_133 = arith.addi %select_n3A_130, %add3A_132 : i32
      %select_n3A_134 = arith.constant true
      %select_n3A_135 = arith.select %select_n3A_134, %add3A_133, %select_n3A_130 : i32
      %eq3A_136 = arith.constant 200 : i32
      %eq3A_137 = arith.cmpi eq, %select_n3A_135, %eq3A_136 : i32
      %select_n3A_138 = arith.constant 0 : i32
      %select_n3A_139 = arith.select %eq3A_137, %select_n3A_138, %select_n3A_135 : i32
      %add3A_140 = arith.addi %select_n3A_139, %mul3A_8 : i32
      "tpu.trace_start"() <{level = 10 : i32, message = "ep_finalize"}> : () -> ()
      %rem3A_141 = arith.constant 2 : i32
      %rem3A_142 = arith.remui %scan3A_103#3, %rem3A_141 : i32
      %jit3A_143 = arith.constant 64 : i32
      %div3A_144 = arith.divsi %add3A_113, %jit3A_143 : i32
      %sign3A_145 = arith.constant 0 : i32
      %sign3A_146 = arith.cmpi sgt, %add3A_113, %sign3A_145 : i32
      %sign3A_147 = arith.extui %sign3A_146 : i1 to i32
      %sign3A_148 = arith.constant 0 : i32
      %sign3A_149 = arith.cmpi slt, %add3A_113, %sign3A_148 : i32
      %sign3A_150 = arith.extui %sign3A_149 : i1 to i32
      %sign3A_151 = arith.subi %sign3A_147, %sign3A_150 : i32
      %sign3A_152 = arith.constant 0 : i32
      %sign3A_153 = arith.cmpi sgt, %jit3A_143, %sign3A_152 : i32
      %sign3A_154 = arith.extui %sign3A_153 : i1 to i32
      %sign3A_155 = arith.constant 0 : i32
      %sign3A_156 = arith.cmpi slt, %jit3A_143, %sign3A_155 : i32
      %sign3A_157 = arith.extui %sign3A_156 : i1 to i32
      %sign3A_158 = arith.subi %sign3A_154, %sign3A_157 : i32
      %ne3A_159 = arith.cmpi ne, %sign3A_151, %sign3A_158 : i32
      %rem3A_160 = arith.remsi %add3A_113, %jit3A_143 : i32
      %ne3A_161 = arith.constant 0 : i32
      %ne3A_162 = arith.cmpi ne, %rem3A_160, %ne3A_161 : i32
      %and3A_163 = arith.andi %ne3A_159, %ne3A_162 : i1
      %sub3A_164 = arith.constant 1 : i32
      %sub3A_165 = arith.subi %div3A_144, %sub3A_164 : i32
      %select_n3A_166 = arith.select %and3A_163, %sub3A_165, %div3A_144 : i32
      %jit3A_167 = arith.constant 64 : i32
      %eq3A_168 = arith.constant 0 : i32
      %eq3A_169 = arith.cmpi eq, %jit3A_167, %eq3A_168 : i32
      %jit3A_170 = arith.constant 1 : i32
      %select_n3A_171 = arith.select %eq3A_169, %jit3A_170, %jit3A_167 : i32
      %rem3A_172 = arith.remsi %add3A_113, %select_n3A_171 : i32
      %ne3A_173 = arith.constant 0 : i32
      %ne3A_174 = arith.cmpi ne, %rem3A_172, %ne3A_173 : i32
      %lt3A_175 = arith.constant 0 : i32
      %lt3A_176 = arith.cmpi slt, %rem3A_172, %lt3A_175 : i32
      %lt3A_177 = arith.constant 0 : i32
      %lt3A_178 = arith.cmpi slt, %select_n3A_171, %lt3A_177 : i32
      %ne3A_179 = arith.xori %lt3A_176, %lt3A_178 : i1
      %and3A_180 = arith.andi %ne3A_179, %ne3A_174 : i1
      %add3A_181 = arith.addi %rem3A_172, %select_n3A_171 : i32
      %select_n3A_182 = arith.select %and3A_180, %add3A_181, %rem3A_172 : i32
      %mul3A_183 = arith.constant 1 : i32
      %mul3A_184 = arith.muli %mul3A_183, %select_n3A_166 : i32
      %mul3A_185 = arith.constant 256 : i32
      %mul3A_186 = arith.muli %mul3A_185, %select_n3A_182 : i32
      %dma_wait3A = arith.constant 0 : i32
      %dma_wait3A_187 = arith.constant 0 : i32
      %dma_wait3A_188 = arith.constant 0 : i32
      %dma_wait3A_189 = tpu.memref_slice %run_scoped3A_10[%rem3A_142, %dma_wait3A, %dma_wait3A_187, %dma_wait3A_188] : memref<2x1x256x128xf32, #tpu.memory_space<vmem>> -> memref<1x1x256x128xf32, #tpu.memory_space<vmem>>
      %dma_wait3A_190 = tpu.memref_squeeze %dma_wait3A_189 : memref<1x1x256x128xf32, #tpu.memory_space<vmem>> -> memref<1x256x128xf32, #tpu.memory_space<vmem>>
      %dma_wait3A_191 = arith.constant 0 : i32
      %dma_wait3A_192 = tpu.memref_slice %arg4[%mul3A_184, %mul3A_186, %dma_wait3A_191] : memref<100x16384x128xf32, #tpu.memory_space<hbm>> -> memref<1x256x128xf32, #tpu.memory_space<hbm>>
      %dma_wait3A_193 = tpu.memref_slice %run_scoped3A_11[%rem3A_142] : memref<2x!tpu.dma_semaphore, #tpu.memory_space<semaphore_mem>> -> memref<1x!tpu.dma_semaphore, #tpu.memory_space<semaphore_mem>>
      %dma_wait3A_194 = tpu.memref_squeeze %dma_wait3A_193 : memref<1x!tpu.dma_semaphore, #tpu.memory_space<semaphore_mem>> -> memref<!tpu.dma_semaphore, #tpu.memory_space<semaphore_mem>>
      %dma_wait3A_195 = arith.constant 0 : i32
      %dma_wait3A_196 = tpu.memref_slice %arg4[%mul3A_184, %mul3A_186, %dma_wait3A_195] : memref<100x16384x128xf32, #tpu.memory_space<hbm>> -> memref<1x256x128xf32, #tpu.memory_space<hbm>>
      %dma_wait3A_197 = arith.constant 0 : i32
      %dma_wait3A_198 = arith.constant 0 : i32
      %dma_wait3A_199 = arith.constant 0 : i32
      %dma_wait3A_200 = tpu.memref_slice %run_scoped3A_10[%rem3A_142, %dma_wait3A_197, %dma_wait3A_198, %dma_wait3A_199] : memref<2x1x256x128xf32, #tpu.memory_space<vmem>> -> memref<1x1x256x128xf32, #tpu.memory_space<vmem>>
      %dma_wait3A_201 = tpu.memref_squeeze %dma_wait3A_200 : memref<1x1x256x128xf32, #tpu.memory_space<vmem>> -> memref<1x256x128xf32, #tpu.memory_space<vmem>>
      tpu.wait_dma2 semaphore(%dma_wait3A_194 : memref<!tpu.dma_semaphore, #tpu.memory_space<semaphore_mem>>) src(%dma_wait3A_201 : memref<1x256x128xf32, #tpu.memory_space<vmem>>) dst(%dma_wait3A_196 : memref<1x256x128xf32, #tpu.memory_space<hbm>>)
      "tpu.trace_stop"() : () -> ()
      tpu.yield
    }) : () -> ()
    return
  }
}

module attributes {stable_mosaic.version = 14 : i64} {
  func.func @body(%arg0: memref<1000x1xf32, #tpu.memory_space<vmem>>, %arg1: memref<1000x128xf32, #tpu.memory_space<vmem>>, %arg2: memref<1x128xf32, #tpu.memory_space<vmem>>, %arg3: memref<1x128xf32, #tpu.memory_space<vmem>>, %arg4: memref<1000x128xf32, #tpu.memory_space<vmem>>) attributes {dimension_semantics = [], scalar_prefetch = 0 : i64, scratch_operands = 0 : i64, tpu.core_type = #tpu.core_type<tc>} {
    %get3A = arith.constant 0 : index
    %get3A_0 = arith.constant 0 : index
    %get3A_1 = vector.load %arg0[%get3A, %get3A_0] : memref<1000x1xf32, #tpu.memory_space<vmem>>, vector<1000x1xf32>
    %get3A_2 = arith.constant 0 : index
    %get3A_3 = arith.constant 0 : index
    %get3A_4 = vector.load %arg1[%get3A_2, %get3A_3] : memref<1000x128xf32, #tpu.memory_space<vmem>>, vector<1000x128xf32>
    %get3A_5 = arith.constant 0 : index
    %get3A_6 = arith.constant 0 : index
    %get3A_7 = vector.load %arg2[%get3A_5, %get3A_6] : memref<1x128xf32, #tpu.memory_space<vmem>>, vector<1x128xf32>
    %mul3A = vector.broadcast %get3A_1 : vector<1000x1xf32> to vector<1000x128xf32>
    %mul3A_8 = vector.broadcast %get3A_7 : vector<1x128xf32> to vector<1000x128xf32>
    %mul3A_9 = arith.mulf %mul3A, %mul3A_8 : vector<1000x128xf32>
    %add3A = arith.addf %get3A_4, %mul3A_9 : vector<1000x128xf32>
    %sub3A = arith.constant 1.000000e+00 : f32
    %sub3A_10 = vector.broadcast %sub3A : f32 to vector<1000x1xf32>
    %sub3A_11 = arith.subf %sub3A_10, %get3A_1 : vector<1000x1xf32>
    %get3A_12 = arith.constant 0 : index
    %get3A_13 = arith.constant 0 : index
    %get3A_14 = vector.load %arg3[%get3A_12, %get3A_13] : memref<1x128xf32, #tpu.memory_space<vmem>>, vector<1x128xf32>
    %mul3A_15 = vector.broadcast %sub3A_11 : vector<1000x1xf32> to vector<1000x128xf32>
    %mul3A_16 = vector.broadcast %get3A_14 : vector<1x128xf32> to vector<1000x128xf32>
    %mul3A_17 = arith.mulf %mul3A_15, %mul3A_16 : vector<1000x128xf32>
    %add3A_18 = arith.addf %add3A, %mul3A_17 : vector<1000x128xf32>
    %swap3A = arith.constant 0 : index
    %swap3A_19 = arith.constant 0 : index
    %swap3A_20 = vector.load %arg4[%swap3A, %swap3A_19] : memref<1000x128xf32, #tpu.memory_space<vmem>>, vector<1000x128xf32>
    tpu.vector_store %arg4[%swap3A, %swap3A_19], %add3A_18 {strides = array<i32>} : memref<1000x128xf32, #tpu.memory_space<vmem>>, vector<1000x128xf32>,
    return
  }
}

</mosaic_0001>

<sc_bundles>
// kernel: kernel.4.cloned.1.call-start
scs
__scs_entry_jumppad:
0x0: {  	(pc) =	sbr.rel $0x88, $3  }
0x1: {  	(tag) =	ssettag $0x0;
	lr =	simm.s32 $0x1  }
0x2: {  	[smem:$0x3F9C] =	sst lr;
	_ =	strace $0xD0000000  }
0x3: {  	_ = 	snop  }
0x4: {  	_ = 	snop  }
0x5: {  	_ = 	snop  }
0x6: {  	_ = 	snop  }
0x7: {  	_ = 	snop  }
__scs_overlays_trampoline_lowered:
0x8: {  	[smem:$0x3FAB] =	sst s0  }
0x9: {  	[smem:$0x3FAC] =	sst s1  }
0xa: {  	[smem:$0x3FAD] =	sst s2  }
0xb: {  	[smem:$0x3FAE] =	sst s3  }
0xc: {  	[smem:$0x3FAF] =	sst s4  }
0xd: {  	[smem:$0x3FB0] =	sst s5  }
0xe: {  	[smem:$0x3FB1] =	sst s6  }
0xf: {  	[smem:$0x3FB2] =	sst s7  }
0x10: {  	[smem:$0x3FB3] =	sst s8  }
0x11: {  	[smem:$0x3FB4] =	sst s9;
	s0 =	simm.s32 @!p0 $0x0  }
0x12: {  	s1 =	sld [smem:$0x3F9A];
	s0 =	simm.s32 @p0 $0x1  }
0x13: {  	[smem:$0x3FB5] =	sst s0;
	s0 =	simm.s32 @!p1 $0x0  }
0x14: {  	s2 =	sld [smem:$0x3F99];
	s0 =	simm.s32 @p1 $0x1  }
0x15: {  	[smem:$0x3FB6] =	sst s0;
	s0 =	simm.s32 @!p2 $0x0  }
0x16: {  	s3 =	sld [smem:$0x3FDB];
	s0 =	simm.s32 @p2 $0x1  }
0x17: {  	s4 =	simm.s32 $0x1BF5;
	[smem:$0x3FB8] =	sst s0  }
0x18: {  	s0 =	sld [smem:$0x3F9B];
	_ =	swait.ge [sflag:s4], $0x0  }
0x19: {  	s7 =	sld [smem:$0x3F9C]  }
0x1a: {  	s8 =	sadd.s32 $0xFFFFE003, lr  }
0x1b: {  	s9 =	sadd.s32 $0xFFFFFEF7, lr;
	s5 =	simm.s32 $0xFFFFFFFF;
	p2 =	slt.u32 s8, $0xFFFFF086  }
0x1c: {  	p1 =	slt.u32 s9, $0xF7A;
	s5 =	simm.s32 @!p2 $0x0  }
0x1d: {  	s5 =	simm.s32 @p1 $0x1;
	p0 =	seq.s32 s7, s2  }
0x1e: {  	s7 =	smul.u32 @!p0 $0xF7A, s2;
	p2 =	seq.s32 @!p0 s5, $0x0  }
0x1f: {  	s9 =	smul.u32 $0xF7A, s1;
	s8 =	simm.s32 @!p0 $0x1BF5;
	p2 =	por !p2, p0  }
0x20: {  	[sflag:s8] =	ssyncset.s32 @!p0 $0xFFFFF086;
	s6 =	sadd.s32 @!p0 s3, s7;
	s7 =	simm.s32 @!p0 $0x108  }
0x21: {  	s3 =	sadd.s32 s3, s9;
	s6 =	sadd.s32 @!p0 $0x88, s6;
	s7 =	simm.s32 @p2 $0x1082  }
0x22: {  	[simem:s7], [sflag:s8] =	dma.local @!p0 [hbm:s6], $0xF7A  }
0x23: {  	s9 =	sor.u32 $0xD0000000, s2;
	s6 =	simm.s32 $0x108;
	_ =	swait.ge @!p0 [sflag:s8], $0x0  }
0x24: {  	s3 =	sadd.s32 $0x88, s3;
	s6 =	simm.s32 @!p1 $0x1082;
	[sflag:s4] =	ssyncset.s32 $0xFFFFF086  }
0x25: {  	[simem:s6], [sflag:s4] =	dma.local [hbm:s3], $0xF7A  }
0x26: {  	[smem:$0x3F9C] =	sst s1;
	(tag) =	ssettag s2;
	_ =	strace s9  }
0x27: {  	s1 =	sld [smem:$0x3FAC]  }
0x28: {  	s2 =	sld [smem:$0x3FAD]  }
0x29: {  	s4 =	sld [smem:$0x3FAF]  }
0x2a: {  	p0 =	seq.s32 s5, $0x0;
	s5 =	sld [smem:$0x3FB0]  }
0x2b: {  	s6 =	sld [smem:$0x3FB1]  }
0x2c: {  	s7 =	sld [smem:$0x3FB2]  }
0x2d: {  	s3 =	simm.s32 $0x108;
	s8 =	sld [smem:$0x3FB3]  }
0x2e: {  	s3 =	simm.s32 @!p0 $0x1082;
	s9 =	sld [smem:$0x3FB4]  }
0x2f: {  	lr =	sadd.s32 s0, s3;
	s0 =	sld [smem:$0x3FAB]  }
0x30: {  	s3 =	sld [smem:$0x3FAE]  }
0x31: {  	[smem:$0x3FB7] =	sst s10  }
0x32: {  	s10 =	sld [smem:$0x3FB5];
	_ =	sdelay $0x3  }
0x33: {  	p0 =	seq.s32 s10, $0x1;
	s10 =	sld [smem:$0x3FB7];
	_ =	sdelay $0x3  }
0x34: {  	[smem:$0x3FB7] =	sst s10  }
0x35: {  	s10 =	sld [smem:$0x3FB6];
	_ =	sdelay $0x3  }
0x36: {  	p1 =	seq.s32 s10, $0x1;
	s10 =	sld [smem:$0x3FB7];
	_ =	sdelay $0x3  }
0x37: {  	[smem:$0x3FB7] =	sst s10  }
0x38: {  	s10 =	sld [smem:$0x3FB8]  }
0x39: {  	_ = 	snop;
	(pc) =	sbr.ind lr, $3  }
0x3a: {  	_ = 	snop  }
0x3b: {  	_ = 	snop  }
0x3c: {  	p2 =	seq.s32 s10, $0x1;
	s10 =	sld [smem:$0x3FB7]  }
0x3d: {  	_ =	shalt  }
0x3e: {  	_ =	shalt  }
0x3f: {  	_ =	shalt  }
0x40: {  	_ =	shalt  }
0x41: {  	_ =	shalt  }
0x42: {  	_ =	shalt  }
0x43: {  	_ =	shalt  }
0x44: {  	_ =	shalt  }
0x45: {  	_ =	shalt  }
0x46: {  	_ =	shalt  }
0x47: {  	_ =	shalt  }
0x48: {  	_ =	shalt  }
0x49: {  	_ =	shalt  }
0x4a: {  	_ =	shalt  }
0x4b: {  	_ =	shalt  }
0x4c: {  	_ =	shalt  }
0x4d: {  	_ =	shalt  }
0x4e: {  	_ =	shalt  }
0x4f: {  	_ =	shalt  }
0x50: {  	_ =	shalt  }
0x51: {  	_ =	shalt  }
0x52: {  	_ =	shalt  }
0x53: {  	_ =	shalt  }
0x54: {  	_ =	shalt  }
0x55: {  	_ =	shalt  }
0x56: {  	_ =	shalt  }
0x57: {  	_ =	shalt  }
0x58: {  	_ =	shalt  }
0x59: {  	_ =	shalt  }
0x5a: {  	_ =	shalt  }
0x5b: {  	_ =	shalt  }
0x5c: {  	_ =	shalt  }
0x5d: {  	_ =	shalt  }
0x5e: {  	_ =	shalt  }
0x5f: {  	_ =	shalt  }
0x60: {  	_ =	shalt  }
0x61: {  	_ =	shalt  }
0x62: {  	_ =	shalt  }
0x63: {  	_ =	shalt  }
0x64: {  	_ =	shalt  }
0x65: {  	_ =	shalt  }
0x66: {  	_ =	shalt  }
0x67: {  	_ =	shalt  }
0x68: {  	_ =	shalt  }
0x69: {  	_ =	shalt  }
0x6a: {  	_ =	shalt  }
0x6b: {  	_ =	shalt  }
0x6c: {  	_ =	shalt  }
0x6d: {  	_ =	shalt  }
0x6e: {  	_ =	shalt  }
0x6f: {  	_ =	shalt  }
0x70: {  	_ =	shalt  }
0x71: {  	_ =	shalt  }
0x72: {  	_ =	shalt  }
0x73: {  	_ =	shalt  }
0x74: {  	_ =	shalt  }
0x75: {  	_ =	shalt  }
0x76: {  	_ =	shalt  }
0x77: {  	_ =	shalt  }
0x78: {  	_ =	shalt  }
0x79: {  	_ =	shalt  }
0x7a: {  	_ =	shalt  }
0x7b: {  	_ =	shalt  }
0x7c: {  	_ =	shalt  }
0x7d: {  	_ =	shalt  }
0x7e: {  	_ =	shalt  }
0x7f: {  	_ =	shalt  }
0x80: {  	_ =	shalt  }
0x81: {  	_ =	shalt  }
0x82: {  	_ =	shalt  }
0x83: {  	_ =	shalt  }
0x84: {  	_ =	shalt  }
0x85: {  	_ =	shalt  }
0x86: {  	_ =	shalt  }
0x87: {  	_ =	shalt  }
.Lfunc_end0:
.L_simem_size_0:
called_computation_lowered:
.L_overlay_start_0:
0x88: {  	s2 =	sld [smem:$0x3FD9]  }
0x89: {  	s3 =	sld [smem:$0x3FFE];
	_ =	sdelay $0x1  }
0x8a: {  	s1 =	srdreg.scid  }
0x8b: {  	s0 =	sand.u32 $0x1, s1  }
0x8c: {  	s17 =	sshll.u32 s0, $0xA;
	s2 =	sadd.s32 s3, s2  }
0x8d: {  	s2 =	sadd.s32 s2, s17  }
0x8e: {  	[smem:$0x3FC3] =	sst s2  }
0x8f: {  	_ = 	snop  }
0x90: {  	s2 =	sld [smem:$0x3FC9]  }
0x91: {  	s18 =	sld [smem:$0x3FD0];
	(tm) =	ssettm $0x1  }
0x92: {  	s4 =	sld [smem:$0x3FFB];
	_ =	sdelay $0x3  }
0x93: {  	_ =	strace s4  }
0x94: {  	s4 =	sld [smem:$0x3FFC];
	_ =	sdelay $0x3  }
0x95: {  	_ =	strace s4  }
0x96: {  	s4 =	sld [smem:$0x3FFD];
	_ =	sdelay $0x3  }
0x97: {  	_ =	strace s4  }
0x98: {  	_ =	strace $0x8FFFFFFF  }
0x99: {  	s19 =	sld [smem:$0x3FDB];
	_ =	sdelay $0x1  }
0x9a: {  	s5 =	simm.s32 $_scs_section_size  }
0x9b: {  	s6 =	simm.s32 $_size__tile_overlayer_lowered;
	s7 =	simm.s32 $_tile_overlayer_lowered  }
0x9c: {  	s22 =	simm.s32 $0x1BFF;
	s21 =	sshll.u32 s7, $0x1;
	s4 =	sadd.s32 s5, s19  }
0x9d: {  	s8 =	simm.s32 $0x0;
	s20 =	sshll.u32 s6, $0x1;
	s6 =	sadd.s32 s21, s4  }
0x9e: {  	[timem:s8], [sflag:s22] =	dma.local [hbm:s6], s20  }
0x9f: {  	_ =	swait.ge [sflag:s22], s20  }
0xa0: {  	s5 =	ssub.s32 $0x0, s20;
	[sflag:s22] =	ssyncset.done $0x0  }
0xa1: {  	[sflag:s22] =	ssyncadd.s32 s5;
	_ =	sdelay $0x1  }
0xa2: {  	s23 =	simm.s32 $0x1B8B  }
0xa3: {  	_ =	swait.ge [sflag:s23], $0x1  }
0xa4: {  	[sflag:s23] =	ssyncset.done $0x0  }
0xa5: {  	s25 =	simm.s32 $0x1B8E;
	s24 =	sld [smem:$0x3FFE];
	[sflag:s23] =	ssyncadd.s32 $0xFFFFFFFF  }
0xa6: {  	s26 =	simm.s32 $execute0_lowered;
	[smem:$0x3FD2] =	sst s25  }
0xa7: {  	s6 =	sshll.u32 s26, $0x1;
	_ =	strace $0x80000046;
	[dreg:$0x1] =	wrdreg $0xFFFFFFFF  }
0xa8: {  	s28 =	simm.s32 $_size_execute0_lowered;
	s4 =	sadd.s32 s4, s6;
	[dreg:$0x0] =	wrdreg $0x0  }
0xa9: {  	s6 =	sshll.u32 s28, $0x1;
	[dreg:$0x2] =	wrdreg s4  }
0xaa: {  	[dreg:$0x3] =	wrdreg s6  }
0xab: {  	[dreg:$0x4] =	wrdreg $0xC0  }
0xac: {  	_ =	task [dreg:s8], $0x5FFFF  }
0xad: {  	[dreg:$0x1] =	wrdreg $0xFFFFFFFF  }
0xae: {  	[dreg:$0x0] =	wrdreg $0x60  }
0xaf: {  	[dreg:$0x2] =	wrdreg s24  }
0xb0: {  	[dreg:$0x3] =	wrdreg s2  }
0xb1: {  	[dreg:$0x4] =	wrdreg s18  }
0xb2: {  	[dreg:$0x5] =	wrdreg $0x0  }
0xb3: {  	[dreg:$0x6] =	wrdreg $0x9  }
0xb4: {  	_ =	task.clear_ibuf [dreg:s8], $0x7FFFF;
	_ =	strace $0x90000046  }
0xb5: {  	s29 =	simm.s32 $0x9;
	_ =	strace $0x8000004F  }
0xb6: {  	_ =	swait.ge [sflag:s29], $0x1  }
0xb7: {  	[sflag:s29] =	ssyncadd.s32 $0xFFFFFFFF  }
0xb8: {  	_ =	strace $0x9000004F  }
0xb9: {  	_ =	sfence  }
0xba: {  	s30 =	sld [smem:$0x0];
	_ =	sdelay $0x2  }
0xbb: {  	s31 =	sshll.u32 s1, $0xD;
	s1 =	sshrl.u32 s1, $0x2  }
0xbc: {  	s3 =	sand.u32 $0x4000, s31;
	s1 =	sadd.s32 s1, s30  }
0xbd: {  	s0 =	sor.u32 s3, s0;
	s1 =	sshll.u32 s1, $0x11  }
0xbe: {  	s0 =	sor.u32 s1, s0  }
0xbf: {  	s0 =	sadd.s32 $0x8F2B, s0  }
0xc0: {  	[sflag:s0] =	ssyncadd.remote.s32 $0x1  }
0xc1: {  	_ =	sfence.sel $0xFFFF  }
0xc2: {  	[dreg:$0x0] =	wrdreg $0xFFFFFFFF;
	(pc) =	sbr.abs _section_cstart, $3  }
0xc3: {  	[dreg:$0x1] =	wrdreg $0xFFFFFFFF  }
0xc4: {  	_ =	task.clear_ibuf [dreg:s8], $0x2FFFF;
	_ =	strace $0x9FFFFFFF  }
0xc5: {  	(tm) =	ssettm $0x7FFFFFFF  }
tec
execute0_lowered:
.L_overlay_start_1:
0x0: {  	(tag) =	ssettag $0x1  }
0x1: {  	s6 =	rddreg [dreg:$0x0]  }
0x2: {  	s0 =	rddreg [dreg:$0x1]  }
0x3: {  	s2 =	rddreg [dreg:$0x2]  }
0x4: {  	s1 =	srdreg.scid;
	s3 =	rddreg [dreg:$0x3]  }
0x5: {  	s9 =	stileid.u32;
	s4 =	simm.s32 $0x0;
	s13 =	simm.s32 $0x1  }
0x6: {  	s14 =	simm.s32 $0x2;
	s5 =	sand.u32 $0x1, s1;
	s1 =	rddreg [dreg:$0x4]  }
0x7: {  	[smem:$0x7FF] =	sst s4;
	s6 =	sadd.s32 $0xC00, s6;
	s7 =	sshll.u32 s5, $0x4  }
0x8: {  	s11 =	sshll.u32 s9, $0xB;
	p0 =	sne.s32 s9, $0x0;
	s7 =	sor.u32 s9, s7  }
0x9: {  	s8 =	ssub.s32 $0x2, s5;
	_ =	strace $0x80000047;
	s5 =	smul.u32 $0xC8, s7  }
0xa: {  	s11 =	sand.u32 $0x3800, s11;
	s29 =	sshrl.u32 s8, $0x1;
	s9 =	sshrl.u32 @!p0 s3, $0x3  }
0xb: {  	s8 =	ssub.s32 s8, s29;
	s10 =	sshll.u32 s5, $0x5;
	s12 =	sshrl.u32 s5, $0x2  }
0xc: {  	s8 =	smax.u32 s8, $0x1;
	s10 =	sand.u32 $0x3C000, s10;
	s12 =	sand.u32 $0x70, s12  }
0xd: {  	s30 =	sor.u32 s10, s11;
	s31 =	sadd.s32 s0, s12;
	s10 =	simm.s32 $0x80  }
0xe: {  	s11 =	simm.s32 $0x400;
	s12 =	simm.s32 $0x1F40;
	s7 =	sadd.s32 s30, s31  }
.LBB2_1:
0xf: {  	s15 =	simm.s32 @!p0 $0x1C03  }
0x10: {  	[spmem:s9], [sflag:s15] =	dma.local @!p0 [hbm:s6], $0x3E80  }
0x11: {  	s15 =	simm.s32 @!p0 $0x3  }
0x12: {  	_ =	swait.ge @!p0 [sflag:s15], $0x3E80  }
0x13: {  	[sflag:s15] =	ssyncset.done @!p0 $0x0  }
0x14: {  	[sflag:s15] =	ssyncadd.s32 @!p0 $0xFFFFC180  }
0x15: {  	s17 =	simm.s32 $0x0;
	s16 =	simm.s32 $0x0;
	[bflag:$0x0] =	sbarrier.arrive $0xFFFF  }
0x16: {  	s18 =	simm.s32 $0x0;
	s19 =	simm.s32 $0x0;
	_ =	strace $0x80000048  }
0x17: {  	[tilespmem:s12], [sflag:$0x3] =	stream.strided.gather [hbm4b:s7+s10], $0x100, s11, s10, $0x200038;
	[tilespmem:$0x12140] =	vst v63  }
0x18: {  	s20 =	simm.s32 $0x1;
	s15 =	simm.s32 $0xC8;
	_ =	strace $0x90000048  }
.LBB2_2:
0x19: {  	s22 =	sadd.s32 s5, s17  }
0x1a: {  	s23 =	sadd.s32 $0xFFFFFFFF, s17;
	p1 =	seq.s32 s17, $0x0;
	s17 =	sadd.s32 $0x1, s17  }
0x1b: {  	p2 =	seq.s32 s17, $0xC8  }
0x1c: {  	s17 =	simm.s32 @p2 $0x0  }
0x1d: {  	s21 =	sshra.s32 s22, $0x1F;
	s24 =	sadd.s32 s5, s17  }
0x1e: {  	s21 =	sshrl.u32 s21, $0x1A;
	s25 =	sshra.s32 s24, $0x1F  }
0x1f: {  	s21 =	sadd.s32 s21, s22;
	s25 =	sshrl.u32 s25, $0x1A  }
0x20: {  	s26 =	sshra.s32 s21, $0x6;
	s21 =	sand.u32 $0xFFFFFFC0, s21;
	s25 =	sadd.s32 s25, s24  }
0x21: {  	p5 =	slt.s32 s22, $0x1;
	p3 =	sne.s32 s22, s21;
	s31 =	sand.u32 $0xFFFFFFC0, s25  }
0x22: {  	p6 =	slt.s32 s24, $0x1;
	p2 =	por !p5, !p3;
	p4 =	sne.s32 s24, s31  }
0x23: {  	s21 =	simm.s32 $0x1;
	p2 =	por !p2, !p2;
	p3 =	por !p6, !p4  }
0x24: {  	s28 =	simm.s32 $0x1;
	s21 =	simm.s32 @!p2 $0x0;
	p2 =	por !p3, !p3  }
0x25: {  	s22 =	sand.u32 $0x3F, s22;
	s25 =	sshra.s32 s25, $0x6;
	s28 =	simm.s32 @!p2 $0x0  }
0x26: {  	s24 =	sand.u32 $0x3F, s24;
	s21 =	ssub.s32 s26, s21;
	s25 =	ssub.s32 s25, s28  }
0x27: {  	p6 =	sne.s32 s22, s24;
	p5 =	sne.s32 s21, s25  }
0x28: {  	p4 =	sne.s32 s15, $0x1;
	p2 =	por p6, p5  }
0x29: {  	p3 =	por !p4, !p2  }
0x2a: {  	s23 =	simm.s32 @p1 $0xC7;
	p1 =	por !p3, !p3  }
0x2b: {  	s23 =	sadd.s32 s5, s23;
	s26 =	sshll.u32 @p1 s25, $0xE  }
0x2c: {  	s24 =	sshll.u32 @p1 s24, $0xB;
	s25 =	sshll.u32 @p1 s25, $0x7;
	s26 =	sand.u32 @p1 $0xFFFE0000, s26  }
0x2d: {  	_ =	strace @p1 $0x80000049;
	s25 =	sand.u32 @p1 $0x380, s25;
	s24 =	sor.u32 @p1 s24, s26  }
0x2e: {  	s28 =	simm.s32 @p1 $0x80;
	s26 =	sand.u32 @p1 $0x1, s20;
	s24 =	sor.u32 @p1 s25, s24  }
0x2f: {  	s29 =	simm.s32 @p1 $0x400;
	s25 =	sshll.u32 @p1 s26, $0x8;
	s24 =	sshrl.u32 @p1 s24, $0x3  }
0x30: {  	s26 =	sadd.s32 @p1 $0x3, s26;
	s25 =	sadd.s32 @p1 $0x1F40, s25;
	s24 =	sadd.s32 @p1 s0, s24  }
0x31: {  	[tilespmem:s25], [sflag:s26] =	stream.strided.gather @p1 [hbm4b:s24+s28], $0x100, s29, s28, $0x200038;
	[tilespmem:$0x12140] =	vst v63  }
0x32: {  	s26 =	sshra.s32 s23, $0x1F  }
0x33: {  	s24 =	sshrl.u32 s26, $0x1A  }
0x34: {  	s24 =	sadd.s32 s24, s23  }
0x35: {  	s28 =	sand.u32 $0xFFFFFFC0, s24  }
0x36: {  	p5 =	slt.s32 s23, $0x1;
	p6 =	sne.s32 s23, s28  }
0x37: {  	p3 =	por !p5, !p6  }
0x38: {  	s25 =	simm.s32 $0x1;
	p3 =	por !p3, !p3  }
0x39: {  	s24 =	sshra.s32 s24, $0x6;
	s25 =	simm.s32 @!p3 $0x0  }
0x3a: {  	s23 =	sand.u32 $0x3F, s23;
	s24 =	ssub.s32 s24, s25  }
0x3b: {  	p6 =	sne.s32 s22, s23;
	p4 =	sne.s32 s21, s24  }
0x3c: {  	p5 =	seq.s32 s15, $0xC8;
	p3 =	por p6, p4  }
0x3d: {  	p4 =	por p5, p3  }
0x3e: {  	_ =	strace @p1 $0x90000049;
	s23 =	sand.u32 @p4 $0x1, s19  }
0x3f: {  	_ =	strace @p4 $0x8000004A;
	s23 =	sadd.s32 @p4 $0x3, s23  }
0x40: {  	_ =	swait.ge @p4 [sflag:s23], $0x100  }
0x41: {  	[sflag:s23] =	ssyncset.done @p4 $0x0  }
0x42: {  	s29 =	sshll.u32 s19, $0x8;
	[sflag:s23] =	ssyncadd.s32 @p4 $0xFFFFFF00;
	s23 =	sand.u32 $0x1, s18  }
0x43: {  	s24 =	sand.u32 $0x100, s29;
	_ =	strace @p4 $0x9000004A;
	s30 =	sshll.u32 s23, $0xF  }
0x44: {  	s31 =	sadd.s32 $0x1F40, s24;
	_ =	strace $0x8000004B;
	s26 =	sor.u32 $0x2140, s30  }
0x45: {  	[tilespmem:s26], [sflag:$0x1] =	stream.indirect.gather [spmem:s3], $0x80, s31, s10, $0x2000b8;
	[tilespmem:$0x12140] =	vst v63  }
0x46: {  	s24 =	sadd.s32 $0x1FC0, s24;
	s25 =	sor.u32 $0x6140, s30  }
0x47: {  	[tilespmem:s25], [sflag:$0x2] =	stream.indirect.gather [spmem:s3], $0x80, s24, s10, $0x2000b8;
	[tilespmem:$0x12140] =	vst v63  }
0x48: {  	_ =	swait.ge [sflag:s13], $0x4000  }
0x49: {  	p6 =	sne.s32 s15, $0xC8;
	p5 =	seq.s32 s15, $0x1;
	[sflag:s13] =	ssyncset.done $0x0  }
0x4a: {  	p3 =	por !p6, !p3;
	p2 =	por p5, p2;
	[sflag:s13] =	ssyncadd.s32 $0xFFFFC000  }
0x4b: {  	s21 =	sshll.u32 @p2 s21, $0x15;
	s22 =	sshll.u32 @p2 s22, $0xF;
	_ =	swait.ge [sflag:s14], $0x4000  }
0x4c: {  	s21 =	sor.u32 @p2 s22, s21;
	s22 =	simm.s32 $0x1;
	[sflag:s14] =	ssyncset.done $0x0  }
0x4d: {  	s21 =	sshrl.u32 @p2 s21, $0x3;
	s22 =	simm.s32 @!p1 $0x0;
	[sflag:s14] =	ssyncadd.s32 $0xFFFFC000  }
0x4e: {  	p1 =	por !p3, !p3;
	s21 =	sadd.s32 @p2 s2, s21;
	_ =	strace $0x9000004B  }
0x4f: {  	s23 =	sadd.s32 @p2 $0x5, s23;
	s24 =	simm.s32 @p2 $0x0;
	_ =	strace @p2 $0x8000004C  }
0x50: {  	[hbm4b:s21+s24] =	stream.linear.scatter @p2 [tilespmem:s26], [sflag:s23], $0x8000, $0x200038;
	[tilespmem:$0x12140] =	vst v63  }
0x51: {  	s15 =	sadd.s32 $0xFFFFFFFF, s15;
	s21 =	simm.s32 $0x1;
	s23 =	sand.u32 @p1 $0x1, s16  }
0x52: {  	_ =	strace @p2 $0x9000004C;
	s21 =	simm.s32 @!p2 $0x0;
	p2 =	sne.s32 s15, $0x0  }
.Ltmp0:
0x53: {  	s23 =	sadd.s32 @p1 $0x5, s23;
	_ =	strace @p1 $0x8000004D;
	(pc) =	sbr.rel @p2 .LBB2_2-.Ltmp0, $4  }
0x54: {  	s20 =	sadd.s32 s22, s20;
	s22 =	simm.s32 $0x1;
	_ =	swait.ge @p1 [sflag:s23], $0x8000  }
0x55: {  	s22 =	simm.s32 @!p1 $0x0;
	[sflag:s23] =	ssyncset.done @p1 $0x0  }
0x56: {  	s16 =	sadd.s32 s22, s16;
	[sflag:s23] =	ssyncadd.s32 @p1 $0xFFFF8000  }
0x57: {  	s18 =	sadd.s32 s21, s18;
	s19 =	sadd.s32 s21, s19;
	_ =	strace @p1 $0x9000004D  }
0x58: {  	s4 =	sadd.s32 $0x1, s4  }
0x59: {  	s15 =	sand.u32 $0x1, s16;
	p1 =	sne.s32 s4, s8  }
.Ltmp1:
0x5a: {  	_ =	strace $0x8000004E;
	s15 =	sadd.s32 $0x5, s15;
	(pc) =	sbr.rel @p1 .LBB2_1-.Ltmp1, $4  }
0x5b: {  	_ =	swait.ge [sflag:s15], $0x8000  }
0x5c: {  	[sflag:s15] =	ssyncset.done $0x0  }
0x5d: {  	[sflag:s15] =	ssyncadd.s32 $0xFFFF8000  }
0x5e: {  	_ =	strace $0x9000004E  }
0x5f: {  	_ =	sfence.sel $0x180000  }
0x60: {  	[bflag:$0x0] =	sbarrier.arrive $0xFFFF  }
0x61: {  	_ =	strace $0x90000047  }
0x62: {  	s0 =	sadd.s32 @!p0 $0x100000, s1;
	[bflag:$0x2] =	sbarrier.arrive $0xFFFF  }
0x63: {  	[sflag:s0] =	ssyncadd.tile.s32 @!p0 $0x1;
	_ =	shalt  }
.Lfunc_end2:
_tile_overlayer_lowered:
.L_overlay_start_2:
0x64: {  	(tag) =	ssettag $0x2  }
0x65: {  	s0 =	rddreg [dreg:$0x0];
	s2 =	stileid.u32  }
0x66: {  	s1 =	rddreg [dreg:$0x1];
	p0 =	sne.s32 s2, $0x0  }
0x67: {  	s3 =	rddreg [dreg:$0x2];
	[bflag:$0x3] =	sbarrier.arrive $0xFFFF;
	s2 =	simm.s32 @!p0 $0x1C03  }
0x68: {  	[timem:s3], [sflag:s2] =	dma.local @!p0 [hbm:s0], s1  }
0x69: {  	s0 =	simm.s32 @!p0 $0x3  }
0x6a: {  	_ =	swait.ge @!p0 [sflag:s0], s1  }
0x6b: {  	s1 =	ssub.s32 @!p0 $0x0, s1;
	[sflag:s0] =	ssyncset.done @!p0 $0x0  }
0x6c: {  	[sflag:s0] =	ssyncadd.s32 @!p0 s1  }
0x6d: {  	[bflag:$0x3] =	sbarrier.arrive $0xFFFF  }
0x6e: {  	_ =	shalt  }

</sc_bundles>
